<compile_context>
chip_gen: v7x
topology: tpu7x:2x2x1
jax: 0.10.2.dev20260603
libtpu: 0.0.44.dev20260713+nightly
codegen_flags: <defaults>
</compile_context>

<pallas_src>
import functools

import jax
import jax.numpy as jnp
from jax import lax
from jax.experimental import pallas as pl
from jax.experimental.pallas import tpu as pltpu
from jax.experimental.pallas import tpu_sc as plsc

N_NODES = 10000
N_EDGES = 320000
NP = 10240
CHUNK = 128
NWORK = 32
CPW = 79
E_PAD = NWORK * CPW * CHUNK
RPT = NP // 16
NB = 1024


def _sc_mesh():
    return plsc.VectorSubcoreMesh(core_axis_name="c", subcore_axis_name="s")


def _zero_rows(buf, nrows, ncols):
    zvec = jnp.zeros((16,), jnp.float32)

    def body(i, carry):
        for j in range(ncols // 16):
            buf[i, pl.ds(j * 16, 16)] = zvec
        return carry

    lax.fori_loop(0, nrows, body, 0)


def _make_deg():

    @functools.partial(
        pl.kernel,
        out_type=(
            jax.ShapeDtypeStruct((NP, 16), jnp.float32),
            jax.ShapeDtypeStruct((NP, 16), jnp.float32),
        ),
        mesh=_sc_mesh(),
        scratch_types=[
            pltpu.VMEM((CHUNK,), jnp.int32),
            pltpu.VMEM((CHUNK, 16), jnp.float32),
            pltpu.VMEM((RPT, 16), jnp.float32),
            pltpu.VMEM_SHARED((NP, 16), jnp.float32),
        ],
        compiler_params=pltpu.CompilerParams(use_tc_tiling_on_sc=False),
    )
    def deg_kernel(dst_hbm, out_a, out_b, dst_v, ones_v, zbuf, acc_sh):
        c = lax.axis_index("c")
        s = lax.axis_index("s")
        w = s * 2 + c

        e0 = jnp.where(lax.iota(jnp.int32, 16) == 0, 1.0, 0.0).astype(jnp.float32)

        def fill(i, carry):
            ones_v[i, pl.ds(0, 16)] = e0
            return carry

        lax.fori_loop(0, CHUNK, fill, 0)
        _zero_rows(zbuf, RPT, 16)
        pltpu.sync_copy(zbuf, acc_sh.at[pl.ds(s * RPT, RPT)])
        plsc.subcore_barrier()

        def body(t, carry):
            base = (w * CPW + t) * CHUNK
            pltpu.sync_copy(dst_hbm.at[pl.ds(base, CHUNK)], dst_v)
            pltpu.sync_copy(ones_v, acc_sh.at[dst_v], add=True)
            return carry

        lax.fori_loop(0, CPW, body, 0)
        plsc.subcore_barrier()

        @pl.when(c == 0)
        def _():
            pltpu.sync_copy(acc_sh.at[pl.ds(s * RPT, RPT)], out_a.at[pl.ds(s * RPT, RPT)])

        @pl.when(c == 1)
        def _():
            pltpu.sync_copy(acc_sh.at[pl.ds(s * RPT, RPT)], out_b.at[pl.ds(s * RPT, RPT)])

    return deg_kernel


def _make_agg(d):

    @functools.partial(
        pl.kernel,
        out_type=(
            jax.ShapeDtypeStruct((NP, d), jnp.float32),
            jax.ShapeDtypeStruct((NP, d), jnp.float32),
        ),
        mesh=_sc_mesh(),
        scratch_types=[
            pltpu.VMEM((CHUNK,), jnp.int32),
            pltpu.VMEM((CHUNK,), jnp.int32),
            pltpu.VMEM((CHUNK, d), jnp.float32),
            pltpu.VMEM((RPT, d), jnp.float32),
            pltpu.VMEM_SHARED((NP, d), jnp.float32),
            pltpu.SemaphoreType.DMA,
        ],
        compiler_params=pltpu.CompilerParams(use_tc_tiling_on_sc=False),
    )
    def agg_kernel(z_hbm, src_hbm, dst_hbm, out_a, out_b,
                   src_v, dst_v, rows_v, zbuf, acc_sh, sem):
        c = lax.axis_index("c")
        s = lax.axis_index("s")
        w = s * 2 + c

        _zero_rows(zbuf, RPT, d)
        pltpu.sync_copy(zbuf, acc_sh.at[pl.ds(s * RPT, RPT)])
        plsc.subcore_barrier()

        def body(t, carry):
            base = (w * CPW + t) * CHUNK
            pltpu.sync_copy(src_hbm.at[pl.ds(base, CHUNK)], src_v)
            pltpu.sync_copy(dst_hbm.at[pl.ds(base, CHUNK)], dst_v)
            pltpu.async_copy(z_hbm.at[src_v], rows_v, sem).wait()
            pltpu.sync_copy(rows_v, acc_sh.at[dst_v], add=True)
            return carry

        lax.fori_loop(0, CPW, body, 0)
        plsc.subcore_barrier()

        @pl.when(c == 0)
        def _():
            pltpu.sync_copy(acc_sh.at[pl.ds(s * RPT, RPT)], out_a.at[pl.ds(s * RPT, RPT)])

        @pl.when(c == 1)
        def _():
            pltpu.sync_copy(acc_sh.at[pl.ds(s * RPT, RPT)], out_b.at[pl.ds(s * RPT, RPT)])

    return agg_kernel


def _dis_from_deg(dga, dgb):
    deg = jnp.sum(dga + dgb, axis=1, keepdims=True) + 1.0
    return lax.rsqrt(deg)


def _tc_first_body(x_ref, w_ref, dga_ref, dgb_ref, o_ref):
    dis = _dis_from_deg(dga_ref[...], dgb_ref[...])
    o_ref[...] = jnp.dot(x_ref[...], w_ref[...],
                         preferred_element_type=jnp.float32) * dis


def _tc_mid_body(aa_ref, ab_ref, z_ref, dga_ref, dgb_ref, b_ref, w_ref, o_ref):
    dis = _dis_from_deg(dga_ref[...], dgb_ref[...])
    h = jnp.maximum((aa_ref[...] + ab_ref[...] + z_ref[...]) * dis + b_ref[...], 0.0)
    o_ref[...] = jnp.dot(h, w_ref[...], preferred_element_type=jnp.float32) * dis


def _tc_last_body(aa_ref, ab_ref, z_ref, dga_ref, dgb_ref, b_ref, w_ref,
                  bo_ref, o_ref):
    dis = _dis_from_deg(dga_ref[...], dgb_ref[...])
    h = jnp.maximum((aa_ref[...] + ab_ref[...] + z_ref[...]) * dis + b_ref[...], 0.0)
    o_ref[...] = jnp.dot(h, w_ref[...], preferred_element_type=jnp.float32) + bo_ref[...]


def _row_spec(dcols):
    return pl.BlockSpec((NB, dcols), lambda i: (i, 0))


def _full_spec(r, ccols):
    return pl.BlockSpec((r, ccols), lambda i: (0, 0))


def _tc_first(x_pad, w1, dga, dgb):
    return pl.pallas_call(
        _tc_first_body,
        grid=(NP // NB,),
        in_specs=[_row_spec(128), _full_spec(128, 64), _row_spec(16), _row_spec(16)],
        out_specs=_row_spec(64),
        out_shape=jax.ShapeDtypeStruct((NP, 64), jnp.float32),
    )(x_pad, w1, dga, dgb)


def _tc_mid(aa, ab, z, dga, dgb, b, w, din, dout):
    return pl.pallas_call(
        _tc_mid_body,
        grid=(NP // NB,),
        in_specs=[_row_spec(din), _row_spec(din), _row_spec(din),
                  _row_spec(16), _row_spec(16),
                  _full_spec(1, din), _full_spec(din, dout)],
        out_specs=_row_spec(dout),
        out_shape=jax.ShapeDtypeStruct((NP, dout), jnp.float32),
    )(aa, ab, z, dga, dgb, b.reshape(1, din), w)


def _tc_last(aa, ab, z, dga, dgb, b, w, bo):
    return pl.pallas_call(
        _tc_last_body,
        grid=(NP // NB,),
        in_specs=[_row_spec(16), _row_spec(16), _row_spec(16),
                  _row_spec(16), _row_spec(16),
                  _full_spec(1, 16), _full_spec(16, 1), _full_spec(1, 1)],
        out_specs=_row_spec(1),
        out_shape=jax.ShapeDtypeStruct((NP, 1), jnp.float32),
    )(aa, ab, z, dga, dgb, b.reshape(1, 16), w, bo.reshape(1, 1))


_deg_call = _make_deg()
_agg64 = _make_agg(64)
_agg32 = _make_agg(32)
_agg16 = _make_agg(16)


def kernel(x, edge_index, W1, b1, W2, b2, W3, b3, Wout, bout):
    src = edge_index[0].astype(jnp.int32)
    dst = edge_index[1].astype(jnp.int32)
    pad = E_PAD - N_EDGES
    sink = jnp.full((pad,), N_NODES, jnp.int32)
    src = jnp.concatenate([src, sink])
    dst = jnp.concatenate([dst, sink])
    x_pad = jnp.pad(x, ((0, NP - N_NODES), (0, 0)))

    dga, dgb = _deg_call(dst)
    z1 = _tc_first(x_pad, W1, dga, dgb)
    a1a, a1b = _agg64(z1, src, dst)
    z2 = _tc_mid(a1a, a1b, z1, dga, dgb, b1, W2, 64, 32)
    a2a, a2b = _agg32(z2, src, dst)
    z3 = _tc_mid(a2a, a2b, z2, dga, dgb, b2, W3, 32, 16)
    a3a, a3b = _agg16(z3, src, dst)
    out = _tc_last(a3a, a3b, z3, dga, dgb, b3, Wout, bout)
    return out[:N_NODES]

# --- scband reference (transcript-rebuilt; emitter-appended) ---
"""Pipeline reference for scband-gcn-16286515986672 (READ-ONLY COPY).

The authoritative reference and input builder live on the scoring server;
editing this copy changes nothing except your own understanding.
"""

import jax, jax.numpy as jnp
import numpy as np

N_NODES = 10000
N_EDGES = 320000
D_FEAT = 128


def gcn_conv(x, edge_index, W, b, num_nodes):
    src = edge_index[0]
    dst = edge_index[1]
    loop = jnp.arange(num_nodes, dtype=edge_index.dtype)
    src = jnp.concatenate([src, loop])
    dst = jnp.concatenate([dst, loop])
    xw = x @ W
    deg = jnp.zeros((num_nodes,), dtype=x.dtype).at[dst].add(1.0)
    dis = jnp.where(deg > 0, 1.0 / jnp.sqrt(deg), 0.0)
    norm = dis[src] * dis[dst]
    msgs = jnp.take(xw, src, axis=0) * norm[:, None]
    out = jnp.zeros((num_nodes, W.shape[1]), dtype=x.dtype).at[dst].add(msgs)
    return out + b


def setup_inputs(seed: int = 0) -> dict:
    key = jax.random.key(seed)
    ks = jax.random.split(key, 12)
    x = jax.random.normal(ks[0], (N_NODES, D_FEAT), dtype=jnp.float32)
    edge_index = jax.random.randint(ks[1], (2, N_EDGES), 0, N_NODES, dtype=jnp.int64 if jax.config.jax_enable_x64 else jnp.int32)
    def glorot(k, fan_in, fan_out):
        s = jnp.sqrt(6.0 / (fan_in + fan_out))
        return jax.random.uniform(k, (fan_in, fan_out), dtype=jnp.float32, minval=-s, maxval=s)
    W1 = glorot(ks[2], D_FEAT, 64)
    b1 = jnp.zeros((64,), dtype=jnp.float32)
    W2 = glorot(ks[3], 64, 32)
    b2 = jnp.zeros((32,), dtype=jnp.float32)
    W3 = glorot(ks[4], 32, 16)
    b3 = jnp.zeros((16,), dtype=jnp.float32)
    Wout = glorot(ks[5], 16, 1)
    bout = jnp.zeros((1,), dtype=jnp.float32)
    return {"x": x, "edge_index": edge_index, "W1": W1, "b1": b1, "W2": W2, "b2": b2, "W3": W3, "b3": b3, "Wout": Wout, "bout": bout}


def reference(x, edge_index, W1, b1, W2, b2, W3, b3, Wout, bout):
    h = gcn_conv(x, edge_index, W1, b1, N_NODES)
    h = jax.nn.relu(h)
    h = gcn_conv(h, edge_index, W2, b2, N_NODES)
    h = jax.nn.relu(h)
    h = gcn_conv(h, edge_index, W3, b3, N_NODES)
    h = jax.nn.relu(h)
    out = h @ Wout + bout
    return out

if __name__ == "__main__":
    import jax
    _d = setup_inputs()
    print(jax.jit(kernel)(*tuple(_d.values())))

</pallas_src>

<mosaic_0001>
#map = affine_map<(d0, d1) -> (0, 0)>
#map1 = affine_map<(d0, d1) -> (0)>
module attributes {stable_mosaic.version = 14 : i64} {
  func.func @agg_kernel(%arg0: i32, %arg1: i32, %arg2: memref<10240x32xf32, #tpu.memory_space<hbm>>, %arg3: memref<323584xi32, #tpu.memory_space<hbm>>, %arg4: memref<323584xi32, #tpu.memory_space<hbm>>, %arg5: memref<10240x32xf32, #tpu.memory_space<hbm>>, %arg6: memref<10240x32xf32, #tpu.memory_space<hbm>>, %arg7: memref<128xi32, #tpu.memory_space<vmem>>, %arg8: memref<128xi32, #tpu.memory_space<vmem>>, %arg9: memref<128x32xf32, #tpu.memory_space<vmem>>, %arg10: memref<640x32xf32, #tpu.memory_space<vmem>>, %arg11: memref<10240x32xf32, #tpu.memory_space<vmem_shared>>, %arg12: memref<!tpu.dma_semaphore, #tpu.memory_space<semaphore_mem>>) attributes {dimension_semantics = [#tpu.dimension_semantics<core_parallel>, #tpu.dimension_semantics<subcore_parallel>], iteration_bounds = array<i64: 2, 16>, scalar_prefetch = 0 : i64, scratch_operands = 6 : i64, tpu.core_type = #tpu.core_type<sc_vector_subcore>, window_params = [{transform_indices = #map}, {transform_indices = #map1}, {transform_indices = #map1}, {transform_indices = #map}, {transform_indices = #map}]} {
    %mul3A = arith.constant 2 : i32
    %mul3A_0 = arith.muli %arg1, %mul3A : i32
    %add3A = arith.addi %mul3A_0, %arg0 : i32
    %broadcast_in_dim3A = arith.constant 0.000000e+00 : f32
    %broadcast_in_dim3A_1 = vector.broadcast %broadcast_in_dim3A : f32 to vector<16xf32>
    %scan3A = arith.constant 0 : i32
    %scan3A_2 = arith.constant 0 : i32
    %scan3A_3 = arith.constant 640 : i32
    %scan3A_4 = arith.addi %scan3A_2, %scan3A_3 : i32
    %scan3A_5 = arith.constant 1 : i32
    scf.for %scan3A_23 = %scan3A_2 to %scan3A_4 step %scan3A_5  : i32 {
      %swap3A = arith.index_cast %scan3A_23 : i32 to index
      %swap3A_24 = arith.constant 0 : index
      %swap3A_25 = tpu.vector_load %arg10[%swap3A, %swap3A_24] {strides = array<i32>} : memref<640x32xf32, #tpu.memory_space<vmem>>, vector<1x16xf32>,
      %swap3A_26 = vector.shape_cast %swap3A_25 : vector<1x16xf32> to vector<16xf32>
      %swap3A_27 = vector.shape_cast %broadcast_in_dim3A_1 : vector<16xf32> to vector<1x16xf32>
      tpu.vector_store %arg10[%swap3A, %swap3A_24], %swap3A_27 {strides = array<i32>} : memref<640x32xf32, #tpu.memory_space<vmem>>, vector<1x16xf32>,
      %swap3A_28 = arith.index_cast %scan3A_23 : i32 to index
      %swap3A_29 = arith.constant 16 : index
      %swap3A_30 = tpu.vector_load %arg10[%swap3A_28, %swap3A_29] {strides = array<i32>} : memref<640x32xf32, #tpu.memory_space<vmem>>, vector<1x16xf32>,
      %swap3A_31 = vector.shape_cast %swap3A_30 : vector<1x16xf32> to vector<16xf32>
      %swap3A_32 = vector.shape_cast %broadcast_in_dim3A_1 : vector<16xf32> to vector<1x16xf32>
      tpu.vector_store %arg10[%swap3A_28, %swap3A_29], %swap3A_32 {strides = array<i32>} : memref<640x32xf32, #tpu.memory_space<vmem>>, vector<1x16xf32>,
    }
    %scan3A_6 = arith.constant 640 : i32
    %mul3A_7 = arith.constant 640 : i32
    %mul3A_8 = arith.muli %arg1, %mul3A_7 : i32
    "tpu.region"() ({
      %run_scoped3A = tpu.sem_alloc : memref<!tpu.dma_semaphore, #tpu.memory_space<semaphore_mem>>
      %dma_start3A = arith.constant 0 : i32
      %dma_start3A_23 = tpu.memref_slice %arg11[%mul3A_8, %dma_start3A] : memref<10240x32xf32, #tpu.memory_space<vmem_shared>> -> memref<640x32xf32, #tpu.memory_space<vmem_shared>>
      %dma_start3A_24 = arith.constant 0 : i32
      %dma_start3A_25 = tpu.memref_slice %arg11[%mul3A_8, %dma_start3A_24] : memref<10240x32xf32, #tpu.memory_space<vmem_shared>> -> memref<640x32xf32, #tpu.memory_space<vmem_shared>>
      tpu.enqueue_dma source(%arg10 : memref<640x32xf32, #tpu.memory_space<vmem>>) target(%dma_start3A_25 : memref<640x32xf32, #tpu.memory_space<vmem_shared>>) target_semaphore(%run_scoped3A : memref<!tpu.dma_semaphore, #tpu.memory_space<semaphore_mem>>)
      %dma_wait3A = arith.constant 0 : i32
      %dma_wait3A_26 = tpu.memref_slice %arg11[%mul3A_8, %dma_wait3A] : memref<10240x32xf32, #tpu.memory_space<vmem_shared>> -> memref<640x32xf32, #tpu.memory_space<vmem_shared>>
      %dma_wait3A_27 = arith.constant 0 : i32
      %dma_wait3A_28 = tpu.memref_slice %arg11[%mul3A_8, %dma_wait3A_27] : memref<10240x32xf32, #tpu.memory_space<vmem_shared>> -> memref<640x32xf32, #tpu.memory_space<vmem_shared>>
      tpu.wait_dma2 semaphore(%run_scoped3A : memref<!tpu.dma_semaphore, #tpu.memory_space<semaphore_mem>>) src(%arg10 : memref<640x32xf32, #tpu.memory_space<vmem>>) dst(%dma_wait3A_28 : memref<640x32xf32, #tpu.memory_space<vmem_shared>>)
      tpu.yield
    }) : () -> ()
    %barrier3A = arith.constant 0 : index
    tpu.barrier barrier_id(%barrier3A)
    %scan3A_9 = arith.constant 0 : i32
    %scan3A_10 = arith.constant 0 : i32
    %scan3A_11 = arith.constant 79 : i32
    %scan3A_12 = arith.addi %scan3A_10, %scan3A_11 : i32
    %scan3A_13 = arith.constant 1 : i32
    scf.for %scan3A_23 = %scan3A_10 to %scan3A_12 step %scan3A_13  : i32 {
      %mul3A_24 = arith.constant 79 : i32
      %mul3A_25 = arith.muli %add3A, %mul3A_24 : i32
      %add3A_26 = arith.addi %mul3A_25, %scan3A_23 : i32
      %mul3A_27 = arith.constant 128 : i32
      %mul3A_28 = arith.muli %add3A_26, %mul3A_27 : i32
      "tpu.region"() ({
        %run_scoped3A = tpu.sem_alloc : memref<!tpu.dma_semaphore, #tpu.memory_space<semaphore_mem>>
        %dma_start3A_33 = tpu.memref_slice %arg3[%mul3A_28] : memref<323584xi32, #tpu.memory_space<hbm>> -> memref<128xi32, #tpu.memory_space<hbm>>
        %dma_start3A_34 = tpu.memref_slice %arg3[%mul3A_28] : memref<323584xi32, #tpu.memory_space<hbm>> -> memref<128xi32, #tpu.memory_space<hbm>>
        tpu.enqueue_dma source(%dma_start3A_34 : memref<128xi32, #tpu.memory_space<hbm>>) target(%arg7 : memref<128xi32, #tpu.memory_space<vmem>>) target_semaphore(%run_scoped3A : memref<!tpu.dma_semaphore, #tpu.memory_space<semaphore_mem>>)
        %dma_wait3A_35 = tpu.memref_slice %arg3[%mul3A_28] : memref<323584xi32, #tpu.memory_space<hbm>> -> memref<128xi32, #tpu.memory_space<hbm>>
        %dma_wait3A_36 = tpu.memref_slice %arg3[%mul3A_28] : memref<323584xi32, #tpu.memory_space<hbm>> -> memref<128xi32, #tpu.memory_space<hbm>>
        tpu.wait_dma2 semaphore(%run_scoped3A : memref<!tpu.dma_semaphore, #tpu.memory_space<semaphore_mem>>) src(%dma_wait3A_36 : memref<128xi32, #tpu.memory_space<hbm>>) dst(%arg7 : memref<128xi32, #tpu.memory_space<vmem>>)
        tpu.yield
      }) : () -> ()
      "tpu.region"() ({
        %run_scoped3A = tpu.sem_alloc : memref<!tpu.dma_semaphore, #tpu.memory_space<semaphore_mem>>
        %dma_start3A_33 = tpu.memref_slice %arg4[%mul3A_28] : memref<323584xi32, #tpu.memory_space<hbm>> -> memref<128xi32, #tpu.memory_space<hbm>>
        %dma_start3A_34 = tpu.memref_slice %arg4[%mul3A_28] : memref<323584xi32, #tpu.memory_space<hbm>> -> memref<128xi32, #tpu.memory_space<hbm>>
        tpu.enqueue_dma source(%dma_start3A_34 : memref<128xi32, #tpu.memory_space<hbm>>) target(%arg8 : memref<128xi32, #tpu.memory_space<vmem>>) target_semaphore(%run_scoped3A : memref<!tpu.dma_semaphore, #tpu.memory_space<semaphore_mem>>)
        %dma_wait3A_35 = tpu.memref_slice %arg4[%mul3A_28] : memref<323584xi32, #tpu.memory_space<hbm>> -> memref<128xi32, #tpu.memory_space<hbm>>
        %dma_wait3A_36 = tpu.memref_slice %arg4[%mul3A_28] : memref<323584xi32, #tpu.memory_space<hbm>> -> memref<128xi32, #tpu.memory_space<hbm>>
        tpu.wait_dma2 semaphore(%run_scoped3A : memref<!tpu.dma_semaphore, #tpu.memory_space<semaphore_mem>>) src(%dma_wait3A_36 : memref<128xi32, #tpu.memory_space<hbm>>) dst(%arg8 : memref<128xi32, #tpu.memory_space<vmem>>)
        tpu.yield
      }) : () -> ()
      %dma_start3A = arith.constant 0 : i32
      %dma_start3A_29 = arith.constant 0 : i32
      %dma_start3A_30 = tpu.memref_slice %arg2[%dma_start3A, %dma_start3A_29] : memref<10240x32xf32, #tpu.memory_space<hbm>> -> memref<10240x32xf32, #tpu.memory_space<hbm>>
      tpu.enqueue_indirect_dma source(%dma_start3A_30 : memref<10240x32xf32, #tpu.memory_space<hbm>>) target(%arg9 : memref<128x32xf32, #tpu.memory_space<vmem>>) offsets(%arg7 : memref<128xi32, #tpu.memory_space<vmem>>) semaphore(%arg12 : memref<!tpu.dma_semaphore, #tpu.memory_space<semaphore_mem>>)
      %dma_wait3A = arith.constant 0 : i32
      %dma_wait3A_31 = arith.constant 0 : i32
      %dma_wait3A_32 = tpu.memref_slice %arg2[%dma_wait3A, %dma_wait3A_31] : memref<10240x32xf32, #tpu.memory_space<hbm>> -> memref<10240x32xf32, #tpu.memory_space<hbm>>
      tpu.wait_indirect_dma semaphore(%arg12 : memref<!tpu.dma_semaphore, #tpu.memory_space<semaphore_mem>>) src(%dma_wait3A_32 : memref<10240x32xf32, #tpu.memory_space<hbm>>) dst(%arg9 : memref<128x32xf32, #tpu.memory_space<vmem>>)
      "tpu.region"() ({
        %run_scoped3A = tpu.sem_alloc : memref<!tpu.dma_semaphore, #tpu.memory_space<semaphore_mem>>
        %dma_start3A_33 = arith.constant 0 : i32
        %dma_start3A_34 = arith.constant 0 : i32
        %dma_start3A_35 = tpu.memref_slice %arg11[%dma_start3A_33, %dma_start3A_34] : memref<10240x32xf32, #tpu.memory_space<vmem_shared>> -> memref<10240x32xf32, #tpu.memory_space<vmem_shared>>
        tpu.enqueue_indirect_dma source(%arg9 : memref<128x32xf32, #tpu.memory_space<vmem>>) target(%dma_start3A_35 : memref<10240x32xf32, #tpu.memory_space<vmem_shared>>) offsets(%arg8 : memref<128xi32, #tpu.memory_space<vmem>>) semaphore(%run_scoped3A : memref<!tpu.dma_semaphore, #tpu.memory_space<semaphore_mem>>) {add = true}
        %dma_wait3A_36 = arith.constant 0 : i32
        %dma_wait3A_37 = arith.constant 0 : i32
        %dma_wait3A_38 = tpu.memref_slice %arg11[%dma_wait3A_36, %dma_wait3A_37] : memref<10240x32xf32, #tpu.memory_space<vmem_shared>> -> memref<10240x32xf32, #tpu.memory_space<vmem_shared>>
        tpu.wait_indirect_dma semaphore(%run_scoped3A : memref<!tpu.dma_semaphore, #tpu.memory_space<semaphore_mem>>) src(%arg9 : memref<128x32xf32, #tpu.memory_space<vmem>>) dst(%dma_wait3A_38 : memref<10240x32xf32, #tpu.memory_space<vmem_shared>>)
        tpu.yield
      }) : () -> ()
    }
    %scan3A_14 = arith.constant 79 : i32
    %barrier3A_15 = arith.constant 0 : index
    tpu.barrier barrier_id(%barrier3A_15)
    %eq3A = arith.constant 0 : i32
    %eq3A_16 = arith.cmpi eq, %arg0, %eq3A : i32
    %convert_element_type3A = arith.extui %eq3A_16 : i1 to i32
    %cond3A = arith.constant 0 : i32
    %cond3A_17 = arith.cmpi ne, %convert_element_type3A, %cond3A : i32
    scf.if %cond3A_17 {
      %mul3A_23 = arith.constant 640 : i32
      %mul3A_24 = arith.muli %arg1, %mul3A_23 : i32
      %mul3A_25 = arith.constant 640 : i32
      %mul3A_26 = arith.muli %arg1, %mul3A_25 : i32
      "tpu.region"() ({
        %run_scoped3A = tpu.sem_alloc : memref<!tpu.dma_semaphore, #tpu.memory_space<semaphore_mem>>
        %dma_start3A = arith.constant 0 : i32
        %dma_start3A_27 = tpu.memref_slice %arg5[%mul3A_26, %dma_start3A] : memref<10240x32xf32, #tpu.memory_space<hbm>> -> memref<640x32xf32, #tpu.memory_space<hbm>>
        %dma_start3A_28 = arith.constant 0 : i32
        %dma_start3A_29 = tpu.memref_slice %arg11[%mul3A_24, %dma_start3A_28] : memref<10240x32xf32, #tpu.memory_space<vmem_shared>> -> memref<640x32xf32, #tpu.memory_space<vmem_shared>>
        tpu.enqueue_dma source(%dma_start3A_29 : memref<640x32xf32, #tpu.memory_space<vmem_shared>>) target(%dma_start3A_27 : memref<640x32xf32, #tpu.memory_space<hbm>>) target_semaphore(%run_scoped3A : memref<!tpu.dma_semaphore, #tpu.memory_space<semaphore_mem>>)
        %dma_wait3A = arith.constant 0 : i32
        %dma_wait3A_30 = tpu.memref_slice %arg5[%mul3A_26, %dma_wait3A] : memref<10240x32xf32, #tpu.memory_space<hbm>> -> memref<640x32xf32, #tpu.memory_space<hbm>>
        %dma_wait3A_31 = arith.constant 0 : i32
        %dma_wait3A_32 = tpu.memref_slice %arg11[%mul3A_24, %dma_wait3A_31] : memref<10240x32xf32, #tpu.memory_space<vmem_shared>> -> memref<640x32xf32, #tpu.memory_space<vmem_shared>>
        tpu.wait_dma2 semaphore(%run_scoped3A : memref<!tpu.dma_semaphore, #tpu.memory_space<semaphore_mem>>) src(%dma_wait3A_32 : memref<640x32xf32, #tpu.memory_space<vmem_shared>>) dst(%dma_wait3A_30 : memref<640x32xf32, #tpu.memory_space<hbm>>)
        tpu.yield
      }) : () -> ()
    } else {
    }
    %eq3A_18 = arith.constant 1 : i32
    %eq3A_19 = arith.cmpi eq, %arg0, %eq3A_18 : i32
    %convert_element_type3A_20 = arith.extui %eq3A_19 : i1 to i32
    %cond3A_21 = arith.constant 0 : i32
    %cond3A_22 = arith.cmpi ne, %convert_element_type3A_20, %cond3A_21 : i32
    scf.if %cond3A_22 {
      %mul3A_23 = arith.constant 640 : i32
      %mul3A_24 = arith.muli %arg1, %mul3A_23 : i32
      %mul3A_25 = arith.constant 640 : i32
      %mul3A_26 = arith.muli %arg1, %mul3A_25 : i32
      "tpu.region"() ({
        %run_scoped3A = tpu.sem_alloc : memref<!tpu.dma_semaphore, #tpu.memory_space<semaphore_mem>>
        %dma_start3A = arith.constant 0 : i32
        %dma_start3A_27 = tpu.memref_slice %arg6[%mul3A_26, %dma_start3A] : memref<10240x32xf32, #tpu.memory_space<hbm>> -> memref<640x32xf32, #tpu.memory_space<hbm>>
        %dma_start3A_28 = arith.constant 0 : i32
        %dma_start3A_29 = tpu.memref_slice %arg11[%mul3A_24, %dma_start3A_28] : memref<10240x32xf32, #tpu.memory_space<vmem_shared>> -> memref<640x32xf32, #tpu.memory_space<vmem_shared>>
        tpu.enqueue_dma source(%dma_start3A_29 : memref<640x32xf32, #tpu.memory_space<vmem_shared>>) target(%dma_start3A_27 : memref<640x32xf32, #tpu.memory_space<hbm>>) target_semaphore(%run_scoped3A : memref<!tpu.dma_semaphore, #tpu.memory_space<semaphore_mem>>)
        %dma_wait3A = arith.constant 0 : i32
        %dma_wait3A_30 = tpu.memref_slice %arg6[%mul3A_26, %dma_wait3A] : memref<10240x32xf32, #tpu.memory_space<hbm>> -> memref<640x32xf32, #tpu.memory_space<hbm>>
        %dma_wait3A_31 = arith.constant 0 : i32
        %dma_wait3A_32 = tpu.memref_slice %arg11[%mul3A_24, %dma_wait3A_31] : memref<10240x32xf32, #tpu.memory_space<vmem_shared>> -> memref<640x32xf32, #tpu.memory_space<vmem_shared>>
        tpu.wait_dma2 semaphore(%run_scoped3A : memref<!tpu.dma_semaphore, #tpu.memory_space<semaphore_mem>>) src(%dma_wait3A_32 : memref<640x32xf32, #tpu.memory_space<vmem_shared>>) dst(%dma_wait3A_30 : memref<640x32xf32, #tpu.memory_space<hbm>>)
        tpu.yield
      }) : () -> ()
    } else {
    }
    return
  }
}

#map = affine_map<(d0, d1) -> (0)>
#map1 = affine_map<(d0, d1) -> (0, 0)>
module attributes {stable_mosaic.version = 14 : i64} {
  func.func @deg_kernel(%arg0: i32, %arg1: i32, %arg2: memref<323584xi32, #tpu.memory_space<hbm>>, %arg3: memref<10240x16xf32, #tpu.memory_space<hbm>>, %arg4: memref<10240x16xf32, #tpu.memory_space<hbm>>, %arg5: memref<128xi32, #tpu.memory_space<vmem>>, %arg6: memref<128x16xf32, #tpu.memory_space<vmem>>, %arg7: memref<640x16xf32, #tpu.memory_space<vmem>>, %arg8: memref<10240x16xf32, #tpu.memory_space<vmem_shared>>) attributes {dimension_semantics = [#tpu.dimension_semantics<core_parallel>, #tpu.dimension_semantics<subcore_parallel>], iteration_bounds = array<i64: 2, 16>, scalar_prefetch = 0 : i64, scratch_operands = 4 : i64, tpu.core_type = #tpu.core_type<sc_vector_subcore>, window_params = [{transform_indices = #map}, {transform_indices = #map1}, {transform_indices = #map1}]} {
    %mul3A = arith.constant 2 : i32
    %mul3A_0 = arith.muli %arg1, %mul3A : i32
    %add3A = arith.addi %mul3A_0, %arg0 : i32
    %iota3A = tpu.iota {dimensions = array<i32: 0>} : vector<16xi32>
    %eq3A = arith.constant 0 : i32
    %eq3A_1 = vector.broadcast %eq3A : i32 to vector<16xi32>
    %eq3A_2 = arith.cmpi eq, %iota3A, %eq3A_1 : vector<16xi32>
    %jit3A = arith.constant 1.000000e+00 : f32
    %jit3A_3 = arith.constant 0.000000e+00 : f32
    %broadcast_in_dim3A = vector.broadcast %jit3A : f32 to vector<16xf32>
    %broadcast_in_dim3A_4 = vector.broadcast %jit3A_3 : f32 to vector<16xf32>
    %select_n3A = arith.select %eq3A_2, %broadcast_in_dim3A, %broadcast_in_dim3A_4 : vector<16xi1>, vector<16xf32>
    %scan3A = arith.constant 0 : i32
    %scan3A_5 = arith.constant 0 : i32
    %scan3A_6 = arith.constant 128 : i32
    %scan3A_7 = arith.addi %scan3A_5, %scan3A_6 : i32
    %scan3A_8 = arith.constant 1 : i32
    scf.for %scan3A_35 = %scan3A_5 to %scan3A_7 step %scan3A_8  : i32 {
      %swap3A = arith.index_cast %scan3A_35 : i32 to index
      %swap3A_36 = arith.constant 0 : index
      %swap3A_37 = tpu.vector_load %arg6[%swap3A, %swap3A_36] {strides = array<i32>} : memref<128x16xf32, #tpu.memory_space<vmem>>, vector<1x16xf32>,
      %swap3A_38 = vector.shape_cast %swap3A_37 : vector<1x16xf32> to vector<16xf32>
      %swap3A_39 = vector.shape_cast %select_n3A : vector<16xf32> to vector<1x16xf32>
      tpu.vector_store %arg6[%swap3A, %swap3A_36], %swap3A_39 {strides = array<i32>} : memref<128x16xf32, #tpu.memory_space<vmem>>, vector<1x16xf32>,
    }
    %scan3A_9 = arith.constant 128 : i32
    %broadcast_in_dim3A_10 = arith.constant 0.000000e+00 : f32
    %broadcast_in_dim3A_11 = vector.broadcast %broadcast_in_dim3A_10 : f32 to vector<16xf32>
    %scan3A_12 = arith.constant 0 : i32
    %scan3A_13 = arith.constant 0 : i32
    %scan3A_14 = arith.constant 640 : i32
    %scan3A_15 = arith.addi %scan3A_13, %scan3A_14 : i32
    %scan3A_16 = arith.constant 1 : i32
    scf.for %scan3A_35 = %scan3A_13 to %scan3A_15 step %scan3A_16  : i32 {
      %swap3A = arith.index_cast %scan3A_35 : i32 to index
      %swap3A_36 = arith.constant 0 : index
      %swap3A_37 = tpu.vector_load %arg7[%swap3A, %swap3A_36] {strides = array<i32>} : memref<640x16xf32, #tpu.memory_space<vmem>>, vector<1x16xf32>,
      %swap3A_38 = vector.shape_cast %swap3A_37 : vector<1x16xf32> to vector<16xf32>
      %swap3A_39 = vector.shape_cast %broadcast_in_dim3A_11 : vector<16xf32> to vector<1x16xf32>
      tpu.vector_store %arg7[%swap3A, %swap3A_36], %swap3A_39 {strides = array<i32>} : memref<640x16xf32, #tpu.memory_space<vmem>>, vector<1x16xf32>,
    }
    %scan3A_17 = arith.constant 640 : i32
    %mul3A_18 = arith.constant 640 : i32
    %mul3A_19 = arith.muli %arg1, %mul3A_18 : i32
    "tpu.region"() ({
      %run_scoped3A = tpu.sem_alloc : memref<!tpu.dma_semaphore, #tpu.memory_space<semaphore_mem>>
      %dma_start3A = arith.constant 0 : i32
      %dma_start3A_35 = tpu.memref_slice %arg8[%mul3A_19, %dma_start3A] : memref<10240x16xf32, #tpu.memory_space<vmem_shared>> -> memref<640x16xf32, #tpu.memory_space<vmem_shared>>
      %dma_start3A_36 = arith.constant 0 : i32
      %dma_start3A_37 = tpu.memref_slice %arg8[%mul3A_19, %dma_start3A_36] : memref<10240x16xf32, #tpu.memory_space<vmem_shared>> -> memref<640x16xf32, #tpu.memory_space<vmem_shared>>
      tpu.enqueue_dma source(%arg7 : memref<640x16xf32, #tpu.memory_space<vmem>>) target(%dma_start3A_37 : memref<640x16xf32, #tpu.memory_space<vmem_shared>>) target_semaphore(%run_scoped3A : memref<!tpu.dma_semaphore, #tpu.memory_space<semaphore_mem>>)
      %dma_wait3A = arith.constant 0 : i32
      %dma_wait3A_38 = tpu.memref_slice %arg8[%mul3A_19, %dma_wait3A] : memref<10240x16xf32, #tpu.memory_space<vmem_shared>> -> memref<640x16xf32, #tpu.memory_space<vmem_shared>>
      %dma_wait3A_39 = arith.constant 0 : i32
      %dma_wait3A_40 = tpu.memref_slice %arg8[%mul3A_19, %dma_wait3A_39] : memref<10240x16xf32, #tpu.memory_space<vmem_shared>> -> memref<640x16xf32, #tpu.memory_space<vmem_shared>>
      tpu.wait_dma2 semaphore(%run_scoped3A : memref<!tpu.dma_semaphore, #tpu.memory_space<semaphore_mem>>) src(%arg7 : memref<640x16xf32, #tpu.memory_space<vmem>>) dst(%dma_wait3A_40 : memref<640x16xf32, #tpu.memory_space<vmem_shared>>)
      tpu.yield
    }) : () -> ()
    %barrier3A = arith.constant 0 : index
    tpu.barrier barrier_id(%barrier3A)
    %scan3A_20 = arith.constant 0 : i32
    %scan3A_21 = arith.constant 0 : i32
    %scan3A_22 = arith.constant 79 : i32
    %scan3A_23 = arith.addi %scan3A_21, %scan3A_22 : i32
    %scan3A_24 = arith.constant 1 : i32
    scf.for %scan3A_35 = %scan3A_21 to %scan3A_23 step %scan3A_24  : i32 {
      %mul3A_36 = arith.constant 79 : i32
      %mul3A_37 = arith.muli %add3A, %mul3A_36 : i32
      %add3A_38 = arith.addi %mul3A_37, %scan3A_35 : i32
      %mul3A_39 = arith.constant 128 : i32
      %mul3A_40 = arith.muli %add3A_38, %mul3A_39 : i32
      "tpu.region"() ({
        %run_scoped3A = tpu.sem_alloc : memref<!tpu.dma_semaphore, #tpu.memory_space<semaphore_mem>>
        %dma_start3A = tpu.memref_slice %arg2[%mul3A_40] : memref<323584xi32, #tpu.memory_space<hbm>> -> memref<128xi32, #tpu.memory_space<hbm>>
        %dma_start3A_41 = tpu.memref_slice %arg2[%mul3A_40] : memref<323584xi32, #tpu.memory_space<hbm>> -> memref<128xi32, #tpu.memory_space<hbm>>
        tpu.enqueue_dma source(%dma_start3A_41 : memref<128xi32, #tpu.memory_space<hbm>>) target(%arg5 : memref<128xi32, #tpu.memory_space<vmem>>) target_semaphore(%run_scoped3A : memref<!tpu.dma_semaphore, #tpu.memory_space<semaphore_mem>>)
        %dma_wait3A = tpu.memref_slice %arg2[%mul3A_40] : memref<323584xi32, #tpu.memory_space<hbm>> -> memref<128xi32, #tpu.memory_space<hbm>>
        %dma_wait3A_42 = tpu.memref_slice %arg2[%mul3A_40] : memref<323584xi32, #tpu.memory_space<hbm>> -> memref<128xi32, #tpu.memory_space<hbm>>
        tpu.wait_dma2 semaphore(%run_scoped3A : memref<!tpu.dma_semaphore, #tpu.memory_space<semaphore_mem>>) src(%dma_wait3A_42 : memref<128xi32, #tpu.memory_space<hbm>>) dst(%arg5 : memref<128xi32, #tpu.memory_space<vmem>>)
        tpu.yield
      }) : () -> ()
      "tpu.region"() ({
        %run_scoped3A = tpu.sem_alloc : memref<!tpu.dma_semaphore, #tpu.memory_space<semaphore_mem>>
        %dma_start3A = arith.constant 0 : i32
        %dma_start3A_41 = arith.constant 0 : i32
        %dma_start3A_42 = tpu.memref_slice %arg8[%dma_start3A, %dma_start3A_41] : memref<10240x16xf32, #tpu.memory_space<vmem_shared>> -> memref<10240x16xf32, #tpu.memory_space<vmem_shared>>
        tpu.enqueue_indirect_dma source(%arg6 : memref<128x16xf32, #tpu.memory_space<vmem>>) target(%dma_start3A_42 : memref<10240x16xf32, #tpu.memory_space<vmem_shared>>) offsets(%arg5 : memref<128xi32, #tpu.memory_space<vmem>>) semaphore(%run_scoped3A : memref<!tpu.dma_semaphore, #tpu.memory_space<semaphore_mem>>) {add = true}
        %dma_wait3A = arith.constant 0 : i32
        %dma_wait3A_43 = arith.constant 0 : i32
        %dma_wait3A_44 = tpu.memref_slice %arg8[%dma_wait3A, %dma_wait3A_43] : memref<10240x16xf32, #tpu.memory_space<vmem_shared>> -> memref<10240x16xf32, #tpu.memory_space<vmem_shared>>
        tpu.wait_indirect_dma semaphore(%run_scoped3A : memref<!tpu.dma_semaphore, #tpu.memory_space<semaphore_mem>>) src(%arg6 : memref<128x16xf32, #tpu.memory_space<vmem>>) dst(%dma_wait3A_44 : memref<10240x16xf32, #tpu.memory_space<vmem_shared>>)
        tpu.yield
      }) : () -> ()
    }
    %scan3A_25 = arith.constant 79 : i32
    %barrier3A_26 = arith.constant 0 : index
    tpu.barrier barrier_id(%barrier3A_26)
    %eq3A_27 = arith.constant 0 : i32
    %eq3A_28 = arith.cmpi eq, %arg0, %eq3A_27 : i32
    %convert_element_type3A = arith.extui %eq3A_28 : i1 to i32
    %cond3A = arith.constant 0 : i32
    %cond3A_29 = arith.cmpi ne, %convert_element_type3A, %cond3A : i32
    scf.if %cond3A_29 {
      %mul3A_35 = arith.constant 640 : i32
      %mul3A_36 = arith.muli %arg1, %mul3A_35 : i32
      %mul3A_37 = arith.constant 640 : i32
      %mul3A_38 = arith.muli %arg1, %mul3A_37 : i32
      "tpu.region"() ({
        %run_scoped3A = tpu.sem_alloc : memref<!tpu.dma_semaphore, #tpu.memory_space<semaphore_mem>>
        %dma_start3A = arith.constant 0 : i32
        %dma_start3A_39 = tpu.memref_slice %arg3[%mul3A_38, %dma_start3A] : memref<10240x16xf32, #tpu.memory_space<hbm>> -> memref<640x16xf32, #tpu.memory_space<hbm>>
        %dma_start3A_40 = arith.constant 0 : i32
        %dma_start3A_41 = tpu.memref_slice %arg8[%mul3A_36, %dma_start3A_40] : memref<10240x16xf32, #tpu.memory_space<vmem_shared>> -> memref<640x16xf32, #tpu.memory_space<vmem_shared>>
        tpu.enqueue_dma source(%dma_start3A_41 : memref<640x16xf32, #tpu.memory_space<vmem_shared>>) target(%dma_start3A_39 : memref<640x16xf32, #tpu.memory_space<hbm>>) target_semaphore(%run_scoped3A : memref<!tpu.dma_semaphore, #tpu.memory_space<semaphore_mem>>)
        %dma_wait3A = arith.constant 0 : i32
        %dma_wait3A_42 = tpu.memref_slice %arg3[%mul3A_38, %dma_wait3A] : memref<10240x16xf32, #tpu.memory_space<hbm>> -> memref<640x16xf32, #tpu.memory_space<hbm>>
        %dma_wait3A_43 = arith.constant 0 : i32
        %dma_wait3A_44 = tpu.memref_slice %arg8[%mul3A_36, %dma_wait3A_43] : memref<10240x16xf32, #tpu.memory_space<vmem_shared>> -> memref<640x16xf32, #tpu.memory_space<vmem_shared>>
        tpu.wait_dma2 semaphore(%run_scoped3A : memref<!tpu.dma_semaphore, #tpu.memory_space<semaphore_mem>>) src(%dma_wait3A_44 : memref<640x16xf32, #tpu.memory_space<vmem_shared>>) dst(%dma_wait3A_42 : memref<640x16xf32, #tpu.memory_space<hbm>>)
        tpu.yield
      }) : () -> ()
    } else {
    }
    %eq3A_30 = arith.constant 1 : i32
    %eq3A_31 = arith.cmpi eq, %arg0, %eq3A_30 : i32
    %convert_element_type3A_32 = arith.extui %eq3A_31 : i1 to i32
    %cond3A_33 = arith.constant 0 : i32
    %cond3A_34 = arith.cmpi ne, %convert_element_type3A_32, %cond3A_33 : i32
    scf.if %cond3A_34 {
      %mul3A_35 = arith.constant 640 : i32
      %mul3A_36 = arith.muli %arg1, %mul3A_35 : i32
      %mul3A_37 = arith.constant 640 : i32
      %mul3A_38 = arith.muli %arg1, %mul3A_37 : i32
      "tpu.region"() ({
        %run_scoped3A = tpu.sem_alloc : memref<!tpu.dma_semaphore, #tpu.memory_space<semaphore_mem>>
        %dma_start3A = arith.constant 0 : i32
        %dma_start3A_39 = tpu.memref_slice %arg4[%mul3A_38, %dma_start3A] : memref<10240x16xf32, #tpu.memory_space<hbm>> -> memref<640x16xf32, #tpu.memory_space<hbm>>
        %dma_start3A_40 = arith.constant 0 : i32
        %dma_start3A_41 = tpu.memref_slice %arg8[%mul3A_36, %dma_start3A_40] : memref<10240x16xf32, #tpu.memory_space<vmem_shared>> -> memref<640x16xf32, #tpu.memory_space<vmem_shared>>
        tpu.enqueue_dma source(%dma_start3A_41 : memref<640x16xf32, #tpu.memory_space<vmem_shared>>) target(%dma_start3A_39 : memref<640x16xf32, #tpu.memory_space<hbm>>) target_semaphore(%run_scoped3A : memref<!tpu.dma_semaphore, #tpu.memory_space<semaphore_mem>>)
        %dma_wait3A = arith.constant 0 : i32
        %dma_wait3A_42 = tpu.memref_slice %arg4[%mul3A_38, %dma_wait3A] : memref<10240x16xf32, #tpu.memory_space<hbm>> -> memref<640x16xf32, #tpu.memory_space<hbm>>
        %dma_wait3A_43 = arith.constant 0 : i32
        %dma_wait3A_44 = tpu.memref_slice %arg8[%mul3A_36, %dma_wait3A_43] : memref<10240x16xf32, #tpu.memory_space<vmem_shared>> -> memref<640x16xf32, #tpu.memory_space<vmem_shared>>
        tpu.wait_dma2 semaphore(%run_scoped3A : memref<!tpu.dma_semaphore, #tpu.memory_space<semaphore_mem>>) src(%dma_wait3A_44 : memref<640x16xf32, #tpu.memory_space<vmem_shared>>) dst(%dma_wait3A_42 : memref<640x16xf32, #tpu.memory_space<hbm>>)
        tpu.yield
      }) : () -> ()
    } else {
    }
    return
  }
}

#map = affine_map<(d0, d1) -> (0, 0)>
#map1 = affine_map<(d0, d1) -> (0)>
module attributes {stable_mosaic.version = 14 : i64} {
  func.func @agg_kernel(%arg0: i32, %arg1: i32, %arg2: memref<10240x64xf32, #tpu.memory_space<hbm>>, %arg3: memref<323584xi32, #tpu.memory_space<hbm>>, %arg4: memref<323584xi32, #tpu.memory_space<hbm>>, %arg5: memref<10240x64xf32, #tpu.memory_space<hbm>>, %arg6: memref<10240x64xf32, #tpu.memory_space<hbm>>, %arg7: memref<128xi32, #tpu.memory_space<vmem>>, %arg8: memref<128xi32, #tpu.memory_space<vmem>>, %arg9: memref<128x64xf32, #tpu.memory_space<vmem>>, %arg10: memref<640x64xf32, #tpu.memory_space<vmem>>, %arg11: memref<10240x64xf32, #tpu.memory_space<vmem_shared>>, %arg12: memref<!tpu.dma_semaphore, #tpu.memory_space<semaphore_mem>>) attributes {dimension_semantics = [#tpu.dimension_semantics<core_parallel>, #tpu.dimension_semantics<subcore_parallel>], iteration_bounds = array<i64: 2, 16>, scalar_prefetch = 0 : i64, scratch_operands = 6 : i64, tpu.core_type = #tpu.core_type<sc_vector_subcore>, window_params = [{transform_indices = #map}, {transform_indices = #map1}, {transform_indices = #map1}, {transform_indices = #map}, {transform_indices = #map}]} {
    %mul3A = arith.constant 2 : i32
    %mul3A_0 = arith.muli %arg1, %mul3A : i32
    %add3A = arith.addi %mul3A_0, %arg0 : i32
    %broadcast_in_dim3A = arith.constant 0.000000e+00 : f32
    %broadcast_in_dim3A_1 = vector.broadcast %broadcast_in_dim3A : f32 to vector<16xf32>
    %scan3A = arith.constant 0 : i32
    %scan3A_2 = arith.constant 0 : i32
    %scan3A_3 = arith.constant 640 : i32
    %scan3A_4 = arith.addi %scan3A_2, %scan3A_3 : i32
    %scan3A_5 = arith.constant 1 : i32
    scf.for %scan3A_23 = %scan3A_2 to %scan3A_4 step %scan3A_5  : i32 {
      %swap3A = arith.index_cast %scan3A_23 : i32 to index
      %swap3A_24 = arith.constant 0 : index
      %swap3A_25 = tpu.vector_load %arg10[%swap3A, %swap3A_24] {strides = array<i32>} : memref<640x64xf32, #tpu.memory_space<vmem>>, vector<1x16xf32>,
      %swap3A_26 = vector.shape_cast %swap3A_25 : vector<1x16xf32> to vector<16xf32>
      %swap3A_27 = vector.shape_cast %broadcast_in_dim3A_1 : vector<16xf32> to vector<1x16xf32>
      tpu.vector_store %arg10[%swap3A, %swap3A_24], %swap3A_27 {strides = array<i32>} : memref<640x64xf32, #tpu.memory_space<vmem>>, vector<1x16xf32>,
      %swap3A_28 = arith.index_cast %scan3A_23 : i32 to index
      %swap3A_29 = arith.constant 16 : index
      %swap3A_30 = tpu.vector_load %arg10[%swap3A_28, %swap3A_29] {strides = array<i32>} : memref<640x64xf32, #tpu.memory_space<vmem>>, vector<1x16xf32>,
      %swap3A_31 = vector.shape_cast %swap3A_30 : vector<1x16xf32> to vector<16xf32>
      %swap3A_32 = vector.shape_cast %broadcast_in_dim3A_1 : vector<16xf32> to vector<1x16xf32>
      tpu.vector_store %arg10[%swap3A_28, %swap3A_29], %swap3A_32 {strides = array<i32>} : memref<640x64xf32, #tpu.memory_space<vmem>>, vector<1x16xf32>,
      %swap3A_33 = arith.index_cast %scan3A_23 : i32 to index
      %swap3A_34 = arith.constant 32 : index
      %swap3A_35 = tpu.vector_load %arg10[%swap3A_33, %swap3A_34] {strides = array<i32>} : memref<640x64xf32, #tpu.memory_space<vmem>>, vector<1x16xf32>,
      %swap3A_36 = vector.shape_cast %swap3A_35 : vector<1x16xf32> to vector<16xf32>
      %swap3A_37 = vector.shape_cast %broadcast_in_dim3A_1 : vector<16xf32> to vector<1x16xf32>
      tpu.vector_store %arg10[%swap3A_33, %swap3A_34], %swap3A_37 {strides = array<i32>} : memref<640x64xf32, #tpu.memory_space<vmem>>, vector<1x16xf32>,
      %swap3A_38 = arith.index_cast %scan3A_23 : i32 to index
      %swap3A_39 = arith.constant 48 : index
      %swap3A_40 = tpu.vector_load %arg10[%swap3A_38, %swap3A_39] {strides = array<i32>} : memref<640x64xf32, #tpu.memory_space<vmem>>, vector<1x16xf32>,
      %swap3A_41 = vector.shape_cast %swap3A_40 : vector<1x16xf32> to vector<16xf32>
      %swap3A_42 = vector.shape_cast %broadcast_in_dim3A_1 : vector<16xf32> to vector<1x16xf32>
      tpu.vector_store %arg10[%swap3A_38, %swap3A_39], %swap3A_42 {strides = array<i32>} : memref<640x64xf32, #tpu.memory_space<vmem>>, vector<1x16xf32>,
    }
    %scan3A_6 = arith.constant 640 : i32
    %mul3A_7 = arith.constant 640 : i32
    %mul3A_8 = arith.muli %arg1, %mul3A_7 : i32
    "tpu.region"() ({
      %run_scoped3A = tpu.sem_alloc : memref<!tpu.dma_semaphore, #tpu.memory_space<semaphore_mem>>
      %dma_start3A = arith.constant 0 : i32
      %dma_start3A_23 = tpu.memref_slice %arg11[%mul3A_8, %dma_start3A] : memref<10240x64xf32, #tpu.memory_space<vmem_shared>> -> memref<640x64xf32, #tpu.memory_space<vmem_shared>>
      %dma_start3A_24 = arith.constant 0 : i32
      %dma_start3A_25 = tpu.memref_slice %arg11[%mul3A_8, %dma_start3A_24] : memref<10240x64xf32, #tpu.memory_space<vmem_shared>> -> memref<640x64xf32, #tpu.memory_space<vmem_shared>>
      tpu.enqueue_dma source(%arg10 : memref<640x64xf32, #tpu.memory_space<vmem>>) target(%dma_start3A_25 : memref<640x64xf32, #tpu.memory_space<vmem_shared>>) target_semaphore(%run_scoped3A : memref<!tpu.dma_semaphore, #tpu.memory_space<semaphore_mem>>)
      %dma_wait3A = arith.constant 0 : i32
      %dma_wait3A_26 = tpu.memref_slice %arg11[%mul3A_8, %dma_wait3A] : memref<10240x64xf32, #tpu.memory_space<vmem_shared>> -> memref<640x64xf32, #tpu.memory_space<vmem_shared>>
      %dma_wait3A_27 = arith.constant 0 : i32
      %dma_wait3A_28 = tpu.memref_slice %arg11[%mul3A_8, %dma_wait3A_27] : memref<10240x64xf32, #tpu.memory_space<vmem_shared>> -> memref<640x64xf32, #tpu.memory_space<vmem_shared>>
      tpu.wait_dma2 semaphore(%run_scoped3A : memref<!tpu.dma_semaphore, #tpu.memory_space<semaphore_mem>>) src(%arg10 : memref<640x64xf32, #tpu.memory_space<vmem>>) dst(%dma_wait3A_28 : memref<640x64xf32, #tpu.memory_space<vmem_shared>>)
      tpu.yield
    }) : () -> ()
    %barrier3A = arith.constant 0 : index
    tpu.barrier barrier_id(%barrier3A)
    %scan3A_9 = arith.constant 0 : i32
    %scan3A_10 = arith.constant 0 : i32
    %scan3A_11 = arith.constant 79 : i32
    %scan3A_12 = arith.addi %scan3A_10, %scan3A_11 : i32
    %scan3A_13 = arith.constant 1 : i32
    scf.for %scan3A_23 = %scan3A_10 to %scan3A_12 step %scan3A_13  : i32 {
      %mul3A_24 = arith.constant 79 : i32
      %mul3A_25 = arith.muli %add3A, %mul3A_24 : i32
      %add3A_26 = arith.addi %mul3A_25, %scan3A_23 : i32
      %mul3A_27 = arith.constant 128 : i32
      %mul3A_28 = arith.muli %add3A_26, %mul3A_27 : i32
      "tpu.region"() ({
        %run_scoped3A = tpu.sem_alloc : memref<!tpu.dma_semaphore, #tpu.memory_space<semaphore_mem>>
        %dma_start3A_33 = tpu.memref_slice %arg3[%mul3A_28] : memref<323584xi32, #tpu.memory_space<hbm>> -> memref<128xi32, #tpu.memory_space<hbm>>
        %dma_start3A_34 = tpu.memref_slice %arg3[%mul3A_28] : memref<323584xi32, #tpu.memory_space<hbm>> -> memref<128xi32, #tpu.memory_space<hbm>>
        tpu.enqueue_dma source(%dma_start3A_34 : memref<128xi32, #tpu.memory_space<hbm>>) target(%arg7 : memref<128xi32, #tpu.memory_space<vmem>>) target_semaphore(%run_scoped3A : memref<!tpu.dma_semaphore, #tpu.memory_space<semaphore_mem>>)
        %dma_wait3A_35 = tpu.memref_slice %arg3[%mul3A_28] : memref<323584xi32, #tpu.memory_space<hbm>> -> memref<128xi32, #tpu.memory_space<hbm>>
        %dma_wait3A_36 = tpu.memref_slice %arg3[%mul3A_28] : memref<323584xi32, #tpu.memory_space<hbm>> -> memref<128xi32, #tpu.memory_space<hbm>>
        tpu.wait_dma2 semaphore(%run_scoped3A : memref<!tpu.dma_semaphore, #tpu.memory_space<semaphore_mem>>) src(%dma_wait3A_36 : memref<128xi32, #tpu.memory_space<hbm>>) dst(%arg7 : memref<128xi32, #tpu.memory_space<vmem>>)
        tpu.yield
      }) : () -> ()
      "tpu.region"() ({
        %run_scoped3A = tpu.sem_alloc : memref<!tpu.dma_semaphore, #tpu.memory_space<semaphore_mem>>
        %dma_start3A_33 = tpu.memref_slice %arg4[%mul3A_28] : memref<323584xi32, #tpu.memory_space<hbm>> -> memref<128xi32, #tpu.memory_space<hbm>>
        %dma_start3A_34 = tpu.memref_slice %arg4[%mul3A_28] : memref<323584xi32, #tpu.memory_space<hbm>> -> memref<128xi32, #tpu.memory_space<hbm>>
        tpu.enqueue_dma source(%dma_start3A_34 : memref<128xi32, #tpu.memory_space<hbm>>) target(%arg8 : memref<128xi32, #tpu.memory_space<vmem>>) target_semaphore(%run_scoped3A : memref<!tpu.dma_semaphore, #tpu.memory_space<semaphore_mem>>)
        %dma_wait3A_35 = tpu.memref_slice %arg4[%mul3A_28] : memref<323584xi32, #tpu.memory_space<hbm>> -> memref<128xi32, #tpu.memory_space<hbm>>
        %dma_wait3A_36 = tpu.memref_slice %arg4[%mul3A_28] : memref<323584xi32, #tpu.memory_space<hbm>> -> memref<128xi32, #tpu.memory_space<hbm>>
        tpu.wait_dma2 semaphore(%run_scoped3A : memref<!tpu.dma_semaphore, #tpu.memory_space<semaphore_mem>>) src(%dma_wait3A_36 : memref<128xi32, #tpu.memory_space<hbm>>) dst(%arg8 : memref<128xi32, #tpu.memory_space<vmem>>)
        tpu.yield
      }) : () -> ()
      %dma_start3A = arith.constant 0 : i32
      %dma_start3A_29 = arith.constant 0 : i32
      %dma_start3A_30 = tpu.memref_slice %arg2[%dma_start3A, %dma_start3A_29] : memref<10240x64xf32, #tpu.memory_space<hbm>> -> memref<10240x64xf32, #tpu.memory_space<hbm>>
      tpu.enqueue_indirect_dma source(%dma_start3A_30 : memref<10240x64xf32, #tpu.memory_space<hbm>>) target(%arg9 : memref<128x64xf32, #tpu.memory_space<vmem>>) offsets(%arg7 : memref<128xi32, #tpu.memory_space<vmem>>) semaphore(%arg12 : memref<!tpu.dma_semaphore, #tpu.memory_space<semaphore_mem>>)
      %dma_wait3A = arith.constant 0 : i32
      %dma_wait3A_31 = arith.constant 0 : i32
      %dma_wait3A_32 = tpu.memref_slice %arg2[%dma_wait3A, %dma_wait3A_31] : memref<10240x64xf32, #tpu.memory_space<hbm>> -> memref<10240x64xf32, #tpu.memory_space<hbm>>
      tpu.wait_indirect_dma semaphore(%arg12 : memref<!tpu.dma_semaphore, #tpu.memory_space<semaphore_mem>>) src(%dma_wait3A_32 : memref<10240x64xf32, #tpu.memory_space<hbm>>) dst(%arg9 : memref<128x64xf32, #tpu.memory_space<vmem>>)
      "tpu.region"() ({
        %run_scoped3A = tpu.sem_alloc : memref<!tpu.dma_semaphore, #tpu.memory_space<semaphore_mem>>
        %dma_start3A_33 = arith.constant 0 : i32
        %dma_start3A_34 = arith.constant 0 : i32
        %dma_start3A_35 = tpu.memref_slice %arg11[%dma_start3A_33, %dma_start3A_34] : memref<10240x64xf32, #tpu.memory_space<vmem_shared>> -> memref<10240x64xf32, #tpu.memory_space<vmem_shared>>
        tpu.enqueue_indirect_dma source(%arg9 : memref<128x64xf32, #tpu.memory_space<vmem>>) target(%dma_start3A_35 : memref<10240x64xf32, #tpu.memory_space<vmem_shared>>) offsets(%arg8 : memref<128xi32, #tpu.memory_space<vmem>>) semaphore(%run_scoped3A : memref<!tpu.dma_semaphore, #tpu.memory_space<semaphore_mem>>) {add = true}
        %dma_wait3A_36 = arith.constant 0 : i32
        %dma_wait3A_37 = arith.constant 0 : i32
        %dma_wait3A_38 = tpu.memref_slice %arg11[%dma_wait3A_36, %dma_wait3A_37] : memref<10240x64xf32, #tpu.memory_space<vmem_shared>> -> memref<10240x64xf32, #tpu.memory_space<vmem_shared>>
        tpu.wait_indirect_dma semaphore(%run_scoped3A : memref<!tpu.dma_semaphore, #tpu.memory_space<semaphore_mem>>) src(%arg9 : memref<128x64xf32, #tpu.memory_space<vmem>>) dst(%dma_wait3A_38 : memref<10240x64xf32, #tpu.memory_space<vmem_shared>>)
        tpu.yield
      }) : () -> ()
    }
    %scan3A_14 = arith.constant 79 : i32
    %barrier3A_15 = arith.constant 0 : index
    tpu.barrier barrier_id(%barrier3A_15)
    %eq3A = arith.constant 0 : i32
    %eq3A_16 = arith.cmpi eq, %arg0, %eq3A : i32
    %convert_element_type3A = arith.extui %eq3A_16 : i1 to i32
    %cond3A = arith.constant 0 : i32
    %cond3A_17 = arith.cmpi ne, %convert_element_type3A, %cond3A : i32
    scf.if %cond3A_17 {
      %mul3A_23 = arith.constant 640 : i32
      %mul3A_24 = arith.muli %arg1, %mul3A_23 : i32
      %mul3A_25 = arith.constant 640 : i32
      %mul3A_26 = arith.muli %arg1, %mul3A_25 : i32
      "tpu.region"() ({
        %run_scoped3A = tpu.sem_alloc : memref<!tpu.dma_semaphore, #tpu.memory_space<semaphore_mem>>
        %dma_start3A = arith.constant 0 : i32
        %dma_start3A_27 = tpu.memref_slice %arg5[%mul3A_26, %dma_start3A] : memref<10240x64xf32, #tpu.memory_space<hbm>> -> memref<640x64xf32, #tpu.memory_space<hbm>>
        %dma_start3A_28 = arith.constant 0 : i32
        %dma_start3A_29 = tpu.memref_slice %arg11[%mul3A_24, %dma_start3A_28] : memref<10240x64xf32, #tpu.memory_space<vmem_shared>> -> memref<640x64xf32, #tpu.memory_space<vmem_shared>>
        tpu.enqueue_dma source(%dma_start3A_29 : memref<640x64xf32, #tpu.memory_space<vmem_shared>>) target(%dma_start3A_27 : memref<640x64xf32, #tpu.memory_space<hbm>>) target_semaphore(%run_scoped3A : memref<!tpu.dma_semaphore, #tpu.memory_space<semaphore_mem>>)
        %dma_wait3A = arith.constant 0 : i32
        %dma_wait3A_30 = tpu.memref_slice %arg5[%mul3A_26, %dma_wait3A] : memref<10240x64xf32, #tpu.memory_space<hbm>> -> memref<640x64xf32, #tpu.memory_space<hbm>>
        %dma_wait3A_31 = arith.constant 0 : i32
        %dma_wait3A_32 = tpu.memref_slice %arg11[%mul3A_24, %dma_wait3A_31] : memref<10240x64xf32, #tpu.memory_space<vmem_shared>> -> memref<640x64xf32, #tpu.memory_space<vmem_shared>>
        tpu.wait_dma2 semaphore(%run_scoped3A : memref<!tpu.dma_semaphore, #tpu.memory_space<semaphore_mem>>) src(%dma_wait3A_32 : memref<640x64xf32, #tpu.memory_space<vmem_shared>>) dst(%dma_wait3A_30 : memref<640x64xf32, #tpu.memory_space<hbm>>)
        tpu.yield
      }) : () -> ()
    } else {
    }
    %eq3A_18 = arith.constant 1 : i32
    %eq3A_19 = arith.cmpi eq, %arg0, %eq3A_18 : i32
    %convert_element_type3A_20 = arith.extui %eq3A_19 : i1 to i32
    %cond3A_21 = arith.constant 0 : i32
    %cond3A_22 = arith.cmpi ne, %convert_element_type3A_20, %cond3A_21 : i32
    scf.if %cond3A_22 {
      %mul3A_23 = arith.constant 640 : i32
      %mul3A_24 = arith.muli %arg1, %mul3A_23 : i32
      %mul3A_25 = arith.constant 640 : i32
      %mul3A_26 = arith.muli %arg1, %mul3A_25 : i32
      "tpu.region"() ({
        %run_scoped3A = tpu.sem_alloc : memref<!tpu.dma_semaphore, #tpu.memory_space<semaphore_mem>>
        %dma_start3A = arith.constant 0 : i32
        %dma_start3A_27 = tpu.memref_slice %arg6[%mul3A_26, %dma_start3A] : memref<10240x64xf32, #tpu.memory_space<hbm>> -> memref<640x64xf32, #tpu.memory_space<hbm>>
        %dma_start3A_28 = arith.constant 0 : i32
        %dma_start3A_29 = tpu.memref_slice %arg11[%mul3A_24, %dma_start3A_28] : memref<10240x64xf32, #tpu.memory_space<vmem_shared>> -> memref<640x64xf32, #tpu.memory_space<vmem_shared>>
        tpu.enqueue_dma source(%dma_start3A_29 : memref<640x64xf32, #tpu.memory_space<vmem_shared>>) target(%dma_start3A_27 : memref<640x64xf32, #tpu.memory_space<hbm>>) target_semaphore(%run_scoped3A : memref<!tpu.dma_semaphore, #tpu.memory_space<semaphore_mem>>)
        %dma_wait3A = arith.constant 0 : i32
        %dma_wait3A_30 = tpu.memref_slice %arg6[%mul3A_26, %dma_wait3A] : memref<10240x64xf32, #tpu.memory_space<hbm>> -> memref<640x64xf32, #tpu.memory_space<hbm>>
        %dma_wait3A_31 = arith.constant 0 : i32
        %dma_wait3A_32 = tpu.memref_slice %arg11[%mul3A_24, %dma_wait3A_31] : memref<10240x64xf32, #tpu.memory_space<vmem_shared>> -> memref<640x64xf32, #tpu.memory_space<vmem_shared>>
        tpu.wait_dma2 semaphore(%run_scoped3A : memref<!tpu.dma_semaphore, #tpu.memory_space<semaphore_mem>>) src(%dma_wait3A_32 : memref<640x64xf32, #tpu.memory_space<vmem_shared>>) dst(%dma_wait3A_30 : memref<640x64xf32, #tpu.memory_space<hbm>>)
        tpu.yield
      }) : () -> ()
    } else {
    }
    return
  }
}

#map = affine_map<(d0, d1) -> (0, 0)>
#map1 = affine_map<(d0, d1) -> (0)>
module attributes {stable_mosaic.version = 14 : i64} {
  func.func @agg_kernel(%arg0: i32, %arg1: i32, %arg2: memref<10240x16xf32, #tpu.memory_space<hbm>>, %arg3: memref<323584xi32, #tpu.memory_space<hbm>>, %arg4: memref<323584xi32, #tpu.memory_space<hbm>>, %arg5: memref<10240x16xf32, #tpu.memory_space<hbm>>, %arg6: memref<10240x16xf32, #tpu.memory_space<hbm>>, %arg7: memref<128xi32, #tpu.memory_space<vmem>>, %arg8: memref<128xi32, #tpu.memory_space<vmem>>, %arg9: memref<128x16xf32, #tpu.memory_space<vmem>>, %arg10: memref<640x16xf32, #tpu.memory_space<vmem>>, %arg11: memref<10240x16xf32, #tpu.memory_space<vmem_shared>>, %arg12: memref<!tpu.dma_semaphore, #tpu.memory_space<semaphore_mem>>) attributes {dimension_semantics = [#tpu.dimension_semantics<core_parallel>, #tpu.dimension_semantics<subcore_parallel>], iteration_bounds = array<i64: 2, 16>, scalar_prefetch = 0 : i64, scratch_operands = 6 : i64, tpu.core_type = #tpu.core_type<sc_vector_subcore>, window_params = [{transform_indices = #map}, {transform_indices = #map1}, {transform_indices = #map1}, {transform_indices = #map}, {transform_indices = #map}]} {
    %mul3A = arith.constant 2 : i32
    %mul3A_0 = arith.muli %arg1, %mul3A : i32
    %add3A = arith.addi %mul3A_0, %arg0 : i32
    %broadcast_in_dim3A = arith.constant 0.000000e+00 : f32
    %broadcast_in_dim3A_1 = vector.broadcast %broadcast_in_dim3A : f32 to vector<16xf32>
    %scan3A = arith.constant 0 : i32
    %scan3A_2 = arith.constant 0 : i32
    %scan3A_3 = arith.constant 640 : i32
    %scan3A_4 = arith.addi %scan3A_2, %scan3A_3 : i32
    %scan3A_5 = arith.constant 1 : i32
    scf.for %scan3A_23 = %scan3A_2 to %scan3A_4 step %scan3A_5  : i32 {
      %swap3A = arith.index_cast %scan3A_23 : i32 to index
      %swap3A_24 = arith.constant 0 : index
      %swap3A_25 = tpu.vector_load %arg10[%swap3A, %swap3A_24] {strides = array<i32>} : memref<640x16xf32, #tpu.memory_space<vmem>>, vector<1x16xf32>,
      %swap3A_26 = vector.shape_cast %swap3A_25 : vector<1x16xf32> to vector<16xf32>
      %swap3A_27 = vector.shape_cast %broadcast_in_dim3A_1 : vector<16xf32> to vector<1x16xf32>
      tpu.vector_store %arg10[%swap3A, %swap3A_24], %swap3A_27 {strides = array<i32>} : memref<640x16xf32, #tpu.memory_space<vmem>>, vector<1x16xf32>,
    }
    %scan3A_6 = arith.constant 640 : i32
    %mul3A_7 = arith.constant 640 : i32
    %mul3A_8 = arith.muli %arg1, %mul3A_7 : i32
    "tpu.region"() ({
      %run_scoped3A = tpu.sem_alloc : memref<!tpu.dma_semaphore, #tpu.memory_space<semaphore_mem>>
      %dma_start3A = arith.constant 0 : i32
      %dma_start3A_23 = tpu.memref_slice %arg11[%mul3A_8, %dma_start3A] : memref<10240x16xf32, #tpu.memory_space<vmem_shared>> -> memref<640x16xf32, #tpu.memory_space<vmem_shared>>
      %dma_start3A_24 = arith.constant 0 : i32
      %dma_start3A_25 = tpu.memref_slice %arg11[%mul3A_8, %dma_start3A_24] : memref<10240x16xf32, #tpu.memory_space<vmem_shared>> -> memref<640x16xf32, #tpu.memory_space<vmem_shared>>
      tpu.enqueue_dma source(%arg10 : memref<640x16xf32, #tpu.memory_space<vmem>>) target(%dma_start3A_25 : memref<640x16xf32, #tpu.memory_space<vmem_shared>>) target_semaphore(%run_scoped3A : memref<!tpu.dma_semaphore, #tpu.memory_space<semaphore_mem>>)
      %dma_wait3A = arith.constant 0 : i32
      %dma_wait3A_26 = tpu.memref_slice %arg11[%mul3A_8, %dma_wait3A] : memref<10240x16xf32, #tpu.memory_space<vmem_shared>> -> memref<640x16xf32, #tpu.memory_space<vmem_shared>>
      %dma_wait3A_27 = arith.constant 0 : i32
      %dma_wait3A_28 = tpu.memref_slice %arg11[%mul3A_8, %dma_wait3A_27] : memref<10240x16xf32, #tpu.memory_space<vmem_shared>> -> memref<640x16xf32, #tpu.memory_space<vmem_shared>>
      tpu.wait_dma2 semaphore(%run_scoped3A : memref<!tpu.dma_semaphore, #tpu.memory_space<semaphore_mem>>) src(%arg10 : memref<640x16xf32, #tpu.memory_space<vmem>>) dst(%dma_wait3A_28 : memref<640x16xf32, #tpu.memory_space<vmem_shared>>)
      tpu.yield
    }) : () -> ()
    %barrier3A = arith.constant 0 : index
    tpu.barrier barrier_id(%barrier3A)
    %scan3A_9 = arith.constant 0 : i32
    %scan3A_10 = arith.constant 0 : i32
    %scan3A_11 = arith.constant 79 : i32
    %scan3A_12 = arith.addi %scan3A_10, %scan3A_11 : i32
    %scan3A_13 = arith.constant 1 : i32
    scf.for %scan3A_23 = %scan3A_10 to %scan3A_12 step %scan3A_13  : i32 {
      %mul3A_24 = arith.constant 79 : i32
      %mul3A_25 = arith.muli %add3A, %mul3A_24 : i32
      %add3A_26 = arith.addi %mul3A_25, %scan3A_23 : i32
      %mul3A_27 = arith.constant 128 : i32
      %mul3A_28 = arith.muli %add3A_26, %mul3A_27 : i32
      "tpu.region"() ({
        %run_scoped3A = tpu.sem_alloc : memref<!tpu.dma_semaphore, #tpu.memory_space<semaphore_mem>>
        %dma_start3A_33 = tpu.memref_slice %arg3[%mul3A_28] : memref<323584xi32, #tpu.memory_space<hbm>> -> memref<128xi32, #tpu.memory_space<hbm>>
        %dma_start3A_34 = tpu.memref_slice %arg3[%mul3A_28] : memref<323584xi32, #tpu.memory_space<hbm>> -> memref<128xi32, #tpu.memory_space<hbm>>
        tpu.enqueue_dma source(%dma_start3A_34 : memref<128xi32, #tpu.memory_space<hbm>>) target(%arg7 : memref<128xi32, #tpu.memory_space<vmem>>) target_semaphore(%run_scoped3A : memref<!tpu.dma_semaphore, #tpu.memory_space<semaphore_mem>>)
        %dma_wait3A_35 = tpu.memref_slice %arg3[%mul3A_28] : memref<323584xi32, #tpu.memory_space<hbm>> -> memref<128xi32, #tpu.memory_space<hbm>>
        %dma_wait3A_36 = tpu.memref_slice %arg3[%mul3A_28] : memref<323584xi32, #tpu.memory_space<hbm>> -> memref<128xi32, #tpu.memory_space<hbm>>
        tpu.wait_dma2 semaphore(%run_scoped3A : memref<!tpu.dma_semaphore, #tpu.memory_space<semaphore_mem>>) src(%dma_wait3A_36 : memref<128xi32, #tpu.memory_space<hbm>>) dst(%arg7 : memref<128xi32, #tpu.memory_space<vmem>>)
        tpu.yield
      }) : () -> ()
      "tpu.region"() ({
        %run_scoped3A = tpu.sem_alloc : memref<!tpu.dma_semaphore, #tpu.memory_space<semaphore_mem>>
        %dma_start3A_33 = tpu.memref_slice %arg4[%mul3A_28] : memref<323584xi32, #tpu.memory_space<hbm>> -> memref<128xi32, #tpu.memory_space<hbm>>
        %dma_start3A_34 = tpu.memref_slice %arg4[%mul3A_28] : memref<323584xi32, #tpu.memory_space<hbm>> -> memref<128xi32, #tpu.memory_space<hbm>>
        tpu.enqueue_dma source(%dma_start3A_34 : memref<128xi32, #tpu.memory_space<hbm>>) target(%arg8 : memref<128xi32, #tpu.memory_space<vmem>>) target_semaphore(%run_scoped3A : memref<!tpu.dma_semaphore, #tpu.memory_space<semaphore_mem>>)
        %dma_wait3A_35 = tpu.memref_slice %arg4[%mul3A_28] : memref<323584xi32, #tpu.memory_space<hbm>> -> memref<128xi32, #tpu.memory_space<hbm>>
        %dma_wait3A_36 = tpu.memref_slice %arg4[%mul3A_28] : memref<323584xi32, #tpu.memory_space<hbm>> -> memref<128xi32, #tpu.memory_space<hbm>>
        tpu.wait_dma2 semaphore(%run_scoped3A : memref<!tpu.dma_semaphore, #tpu.memory_space<semaphore_mem>>) src(%dma_wait3A_36 : memref<128xi32, #tpu.memory_space<hbm>>) dst(%arg8 : memref<128xi32, #tpu.memory_space<vmem>>)
        tpu.yield
      }) : () -> ()
      %dma_start3A = arith.constant 0 : i32
      %dma_start3A_29 = arith.constant 0 : i32
      %dma_start3A_30 = tpu.memref_slice %arg2[%dma_start3A, %dma_start3A_29] : memref<10240x16xf32, #tpu.memory_space<hbm>> -> memref<10240x16xf32, #tpu.memory_space<hbm>>
      tpu.enqueue_indirect_dma source(%dma_start3A_30 : memref<10240x16xf32, #tpu.memory_space<hbm>>) target(%arg9 : memref<128x16xf32, #tpu.memory_space<vmem>>) offsets(%arg7 : memref<128xi32, #tpu.memory_space<vmem>>) semaphore(%arg12 : memref<!tpu.dma_semaphore, #tpu.memory_space<semaphore_mem>>)
      %dma_wait3A = arith.constant 0 : i32
      %dma_wait3A_31 = arith.constant 0 : i32
      %dma_wait3A_32 = tpu.memref_slice %arg2[%dma_wait3A, %dma_wait3A_31] : memref<10240x16xf32, #tpu.memory_space<hbm>> -> memref<10240x16xf32, #tpu.memory_space<hbm>>
      tpu.wait_indirect_dma semaphore(%arg12 : memref<!tpu.dma_semaphore, #tpu.memory_space<semaphore_mem>>) src(%dma_wait3A_32 : memref<10240x16xf32, #tpu.memory_space<hbm>>) dst(%arg9 : memref<128x16xf32, #tpu.memory_space<vmem>>)
      "tpu.region"() ({
        %run_scoped3A = tpu.sem_alloc : memref<!tpu.dma_semaphore, #tpu.memory_space<semaphore_mem>>
        %dma_start3A_33 = arith.constant 0 : i32
        %dma_start3A_34 = arith.constant 0 : i32
        %dma_start3A_35 = tpu.memref_slice %arg11[%dma_start3A_33, %dma_start3A_34] : memref<10240x16xf32, #tpu.memory_space<vmem_shared>> -> memref<10240x16xf32, #tpu.memory_space<vmem_shared>>
        tpu.enqueue_indirect_dma source(%arg9 : memref<128x16xf32, #tpu.memory_space<vmem>>) target(%dma_start3A_35 : memref<10240x16xf32, #tpu.memory_space<vmem_shared>>) offsets(%arg8 : memref<128xi32, #tpu.memory_space<vmem>>) semaphore(%run_scoped3A : memref<!tpu.dma_semaphore, #tpu.memory_space<semaphore_mem>>) {add = true}
        %dma_wait3A_36 = arith.constant 0 : i32
        %dma_wait3A_37 = arith.constant 0 : i32
        %dma_wait3A_38 = tpu.memref_slice %arg11[%dma_wait3A_36, %dma_wait3A_37] : memref<10240x16xf32, #tpu.memory_space<vmem_shared>> -> memref<10240x16xf32, #tpu.memory_space<vmem_shared>>
        tpu.wait_indirect_dma semaphore(%run_scoped3A : memref<!tpu.dma_semaphore, #tpu.memory_space<semaphore_mem>>) src(%arg9 : memref<128x16xf32, #tpu.memory_space<vmem>>) dst(%dma_wait3A_38 : memref<10240x16xf32, #tpu.memory_space<vmem_shared>>)
        tpu.yield
      }) : () -> ()
    }
    %scan3A_14 = arith.constant 79 : i32
    %barrier3A_15 = arith.constant 0 : index
    tpu.barrier barrier_id(%barrier3A_15)
    %eq3A = arith.constant 0 : i32
    %eq3A_16 = arith.cmpi eq, %arg0, %eq3A : i32
    %convert_element_type3A = arith.extui %eq3A_16 : i1 to i32
    %cond3A = arith.constant 0 : i32
    %cond3A_17 = arith.cmpi ne, %convert_element_type3A, %cond3A : i32
    scf.if %cond3A_17 {
      %mul3A_23 = arith.constant 640 : i32
      %mul3A_24 = arith.muli %arg1, %mul3A_23 : i32
      %mul3A_25 = arith.constant 640 : i32
      %mul3A_26 = arith.muli %arg1, %mul3A_25 : i32
      "tpu.region"() ({
        %run_scoped3A = tpu.sem_alloc : memref<!tpu.dma_semaphore, #tpu.memory_space<semaphore_mem>>
        %dma_start3A = arith.constant 0 : i32
        %dma_start3A_27 = tpu.memref_slice %arg5[%mul3A_26, %dma_start3A] : memref<10240x16xf32, #tpu.memory_space<hbm>> -> memref<640x16xf32, #tpu.memory_space<hbm>>
        %dma_start3A_28 = arith.constant 0 : i32
        %dma_start3A_29 = tpu.memref_slice %arg11[%mul3A_24, %dma_start3A_28] : memref<10240x16xf32, #tpu.memory_space<vmem_shared>> -> memref<640x16xf32, #tpu.memory_space<vmem_shared>>
        tpu.enqueue_dma source(%dma_start3A_29 : memref<640x16xf32, #tpu.memory_space<vmem_shared>>) target(%dma_start3A_27 : memref<640x16xf32, #tpu.memory_space<hbm>>) target_semaphore(%run_scoped3A : memref<!tpu.dma_semaphore, #tpu.memory_space<semaphore_mem>>)
        %dma_wait3A = arith.constant 0 : i32
        %dma_wait3A_30 = tpu.memref_slice %arg5[%mul3A_26, %dma_wait3A] : memref<10240x16xf32, #tpu.memory_space<hbm>> -> memref<640x16xf32, #tpu.memory_space<hbm>>
        %dma_wait3A_31 = arith.constant 0 : i32
        %dma_wait3A_32 = tpu.memref_slice %arg11[%mul3A_24, %dma_wait3A_31] : memref<10240x16xf32, #tpu.memory_space<vmem_shared>> -> memref<640x16xf32, #tpu.memory_space<vmem_shared>>
        tpu.wait_dma2 semaphore(%run_scoped3A : memref<!tpu.dma_semaphore, #tpu.memory_space<semaphore_mem>>) src(%dma_wait3A_32 : memref<640x16xf32, #tpu.memory_space<vmem_shared>>) dst(%dma_wait3A_30 : memref<640x16xf32, #tpu.memory_space<hbm>>)
        tpu.yield
      }) : () -> ()
    } else {
    }
    %eq3A_18 = arith.constant 1 : i32
    %eq3A_19 = arith.cmpi eq, %arg0, %eq3A_18 : i32
    %convert_element_type3A_20 = arith.extui %eq3A_19 : i1 to i32
    %cond3A_21 = arith.constant 0 : i32
    %cond3A_22 = arith.cmpi ne, %convert_element_type3A_20, %cond3A_21 : i32
    scf.if %cond3A_22 {
      %mul3A_23 = arith.constant 640 : i32
      %mul3A_24 = arith.muli %arg1, %mul3A_23 : i32
      %mul3A_25 = arith.constant 640 : i32
      %mul3A_26 = arith.muli %arg1, %mul3A_25 : i32
      "tpu.region"() ({
        %run_scoped3A = tpu.sem_alloc : memref<!tpu.dma_semaphore, #tpu.memory_space<semaphore_mem>>
        %dma_start3A = arith.constant 0 : i32
        %dma_start3A_27 = tpu.memref_slice %arg6[%mul3A_26, %dma_start3A] : memref<10240x16xf32, #tpu.memory_space<hbm>> -> memref<640x16xf32, #tpu.memory_space<hbm>>
        %dma_start3A_28 = arith.constant 0 : i32
        %dma_start3A_29 = tpu.memref_slice %arg11[%mul3A_24, %dma_start3A_28] : memref<10240x16xf32, #tpu.memory_space<vmem_shared>> -> memref<640x16xf32, #tpu.memory_space<vmem_shared>>
        tpu.enqueue_dma source(%dma_start3A_29 : memref<640x16xf32, #tpu.memory_space<vmem_shared>>) target(%dma_start3A_27 : memref<640x16xf32, #tpu.memory_space<hbm>>) target_semaphore(%run_scoped3A : memref<!tpu.dma_semaphore, #tpu.memory_space<semaphore_mem>>)
        %dma_wait3A = arith.constant 0 : i32
        %dma_wait3A_30 = tpu.memref_slice %arg6[%mul3A_26, %dma_wait3A] : memref<10240x16xf32, #tpu.memory_space<hbm>> -> memref<640x16xf32, #tpu.memory_space<hbm>>
        %dma_wait3A_31 = arith.constant 0 : i32
        %dma_wait3A_32 = tpu.memref_slice %arg11[%mul3A_24, %dma_wait3A_31] : memref<10240x16xf32, #tpu.memory_space<vmem_shared>> -> memref<640x16xf32, #tpu.memory_space<vmem_shared>>
        tpu.wait_dma2 semaphore(%run_scoped3A : memref<!tpu.dma_semaphore, #tpu.memory_space<semaphore_mem>>) src(%dma_wait3A_32 : memref<640x16xf32, #tpu.memory_space<vmem_shared>>) dst(%dma_wait3A_30 : memref<640x16xf32, #tpu.memory_space<hbm>>)
        tpu.yield
      }) : () -> ()
    } else {
    }
    return
  }
}

module attributes {stable_mosaic.version = 14 : i64} {
  func.func @_tc_first_body(%arg0: i32, %arg1: memref<1024x128xf32, #tpu.memory_space<vmem>>, %arg2: memref<128x64xf32, #tpu.memory_space<vmem>>, %arg3: memref<1024x16xf32, #tpu.memory_space<vmem>>, %arg4: memref<1024x16xf32, #tpu.memory_space<vmem>>, %arg5: memref<1024x64xf32, #tpu.memory_space<vmem>>) attributes {dimension_semantics = [#tpu.dimension_semantics<arbitrary>], iteration_bounds = array<i64: 10>, scalar_prefetch = 0 : i64, scratch_operands = 0 : i64, tpu.core_type = #tpu.core_type<tc>, window_params = [{transform_indices = @transform_0, window_bounds = array<i64: 1024, 128>}, {pipeline_mode = #tpu.pipeline_mode<synchronous>, transform_indices = @transform_1, window_bounds = array<i64: 128, 64>}, {transform_indices = @transform_2, window_bounds = array<i64: 1024, 16>}, {transform_indices = @transform_3, window_bounds = array<i64: 1024, 16>}, {transform_indices = @transform_4, window_bounds = array<i64: 1024, 64>}]} {
    %get3A = arith.constant 0 : index
    %get3A_0 = arith.constant 0 : index
    %get3A_1 = vector.load %arg3[%get3A, %get3A_0] : memref<1024x16xf32, #tpu.memory_space<vmem>>, vector<1024x16xf32>
    %get3A_2 = arith.constant 0 : index
    %get3A_3 = arith.constant 0 : index
    %get3A_4 = vector.load %arg4[%get3A_2, %get3A_3] : memref<1024x16xf32, #tpu.memory_space<vmem>>, vector<1024x16xf32>
    %add3A = arith.addf %get3A_1, %get3A_4 : vector<1024x16xf32>
    %reduce_sum3A = arith.constant dense<0.000000e+00> : vector<1024xf32>
    %reduce_sum3A_5 = vector.multi_reduction <add>, %add3A, %reduce_sum3A [1] : vector<1024x16xf32> to vector<1024xf32>
    %broadcast_in_dim3A = vector.shape_cast %reduce_sum3A_5 : vector<1024xf32> to vector<1024x1xf32>
    %add3A_6 = arith.constant 1.000000e+00 : f32
    %add3A_7 = vector.broadcast %add3A_6 : f32 to vector<1024x1xf32>
    %add3A_8 = arith.addf %broadcast_in_dim3A, %add3A_7 : vector<1024x1xf32>
    %rsqrt3A = math.rsqrt %add3A_8 : vector<1024x1xf32>
    %get3A_9 = arith.constant 0 : index
    %get3A_10 = arith.constant 0 : index
    %get3A_11 = vector.load %arg1[%get3A_9, %get3A_10] : memref<1024x128xf32, #tpu.memory_space<vmem>>, vector<1024x128xf32>
    %get3A_12 = arith.constant 0 : index
    %get3A_13 = arith.constant 0 : index
    %get3A_14 = vector.load %arg2[%get3A_12, %get3A_13] : memref<128x64xf32, #tpu.memory_space<vmem>>, vector<128x64xf32>
    %dot_general3A = arith.constant dense<0.000000e+00> : vector<1024x64xf32>
    %dot_general3A_15 = tpu.matmul %get3A_11, %get3A_14, %dot_general3A {dimension_numbers = #tpu.dot_dimension_numbers<[1], [0], [0], [1], [0, 0, 1, 1], [], []>, transpose_lhs_hint = false} : vector<1024x128xf32>, vector<128x64xf32>, vector<1024x64xf32> -> vector<1024x64xf32>
    %mul3A = vector.broadcast %rsqrt3A : vector<1024x1xf32> to vector<1024x64xf32>
    %mul3A_16 = arith.mulf %dot_general3A_15, %mul3A : vector<1024x64xf32>
    %swap3A = arith.constant 0 : index
    %swap3A_17 = arith.constant 0 : index
    %swap3A_18 = vector.load %arg5[%swap3A, %swap3A_17] : memref<1024x64xf32, #tpu.memory_space<vmem>>, vector<1024x64xf32>
    tpu.vector_store %arg5[%swap3A, %swap3A_17], %mul3A_16 {strides = array<i32>} : memref<1024x64xf32, #tpu.memory_space<vmem>>, vector<1024x64xf32>,
    return
  }
  func.func @transform_0(%arg0: i32) -> (i32, i32) {
    %c0_i32 = arith.constant 0 : i32
    %c0_i32_0 = arith.constant 0 : i32
    return %arg0, %c0_i32 : i32, i32
  }
  func.func @transform_1(%arg0: i32) -> (i32, i32) {
    %c0_i32 = arith.constant 0 : i32
    %c0_i32_0 = arith.constant 0 : i32
    %c0_i32_1 = arith.constant 0 : i32
    return %c0_i32, %c0_i32_0 : i32, i32
  }
  func.func @transform_2(%arg0: i32) -> (i32, i32) {
    %c0_i32 = arith.constant 0 : i32
    %c0_i32_0 = arith.constant 0 : i32
    return %arg0, %c0_i32 : i32, i32
  }
  func.func @transform_3(%arg0: i32) -> (i32, i32) {
    %c0_i32 = arith.constant 0 : i32
    %c0_i32_0 = arith.constant 0 : i32
    return %arg0, %c0_i32 : i32, i32
  }
  func.func @transform_4(%arg0: i32) -> (i32, i32) {
    %c0_i32 = arith.constant 0 : i32
    %c0_i32_0 = arith.constant 0 : i32
    return %arg0, %c0_i32 : i32, i32
  }
}

module attributes {stable_mosaic.version = 14 : i64} {
  func.func @_tc_mid_body(%arg0: i32, %arg1: memref<1024x64xf32, #tpu.memory_space<vmem>>, %arg2: memref<1024x64xf32, #tpu.memory_space<vmem>>, %arg3: memref<1024x64xf32, #tpu.memory_space<vmem>>, %arg4: memref<1024x16xf32, #tpu.memory_space<vmem>>, %arg5: memref<1024x16xf32, #tpu.memory_space<vmem>>, %arg6: memref<1x64xf32, #tpu.memory_space<vmem>>, %arg7: memref<64x32xf32, #tpu.memory_space<vmem>>, %arg8: memref<1024x32xf32, #tpu.memory_space<vmem>>) attributes {dimension_semantics = [#tpu.dimension_semantics<arbitrary>], iteration_bounds = array<i64: 10>, scalar_prefetch = 0 : i64, scratch_operands = 0 : i64, tpu.core_type = #tpu.core_type<tc>, window_params = [{transform_indices = @transform_0, window_bounds = array<i64: 1024, 64>}, {transform_indices = @transform_1, window_bounds = array<i64: 1024, 64>}, {transform_indices = @transform_2, window_bounds = array<i64: 1024, 64>}, {transform_indices = @transform_3, window_bounds = array<i64: 1024, 16>}, {transform_indices = @transform_4, window_bounds = array<i64: 1024, 16>}, {pipeline_mode = #tpu.pipeline_mode<synchronous>, transform_indices = @transform_5, window_bounds = array<i64: 1, 64>}, {pipeline_mode = #tpu.pipeline_mode<synchronous>, transform_indices = @transform_6, window_bounds = array<i64: 64, 32>}, {transform_indices = @transform_7, window_bounds = array<i64: 1024, 32>}]} {
    %get3A = arith.constant 0 : index
    %get3A_0 = arith.constant 0 : index
    %get3A_1 = vector.load %arg4[%get3A, %get3A_0] : memref<1024x16xf32, #tpu.memory_space<vmem>>, vector<1024x16xf32>
    %get3A_2 = arith.constant 0 : index
    %get3A_3 = arith.constant 0 : index
    %get3A_4 = vector.load %arg5[%get3A_2, %get3A_3] : memref<1024x16xf32, #tpu.memory_space<vmem>>, vector<1024x16xf32>
    %add3A = arith.addf %get3A_1, %get3A_4 : vector<1024x16xf32>
    %reduce_sum3A = arith.constant dense<0.000000e+00> : vector<1024xf32>
    %reduce_sum3A_5 = vector.multi_reduction <add>, %add3A, %reduce_sum3A [1] : vector<1024x16xf32> to vector<1024xf32>
    %broadcast_in_dim3A = vector.shape_cast %reduce_sum3A_5 : vector<1024xf32> to vector<1024x1xf32>
    %add3A_6 = arith.constant 1.000000e+00 : f32
    %add3A_7 = vector.broadcast %add3A_6 : f32 to vector<1024x1xf32>
    %add3A_8 = arith.addf %broadcast_in_dim3A, %add3A_7 : vector<1024x1xf32>
    %rsqrt3A = math.rsqrt %add3A_8 : vector<1024x1xf32>
    %get3A_9 = arith.constant 0 : index
    %get3A_10 = arith.constant 0 : index
    %get3A_11 = vector.load %arg1[%get3A_9, %get3A_10] : memref<1024x64xf32, #tpu.memory_space<vmem>>, vector<1024x64xf32>
    %get3A_12 = arith.constant 0 : index
    %get3A_13 = arith.constant 0 : index
    %get3A_14 = vector.load %arg2[%get3A_12, %get3A_13] : memref<1024x64xf32, #tpu.memory_space<vmem>>, vector<1024x64xf32>
    %add3A_15 = arith.addf %get3A_11, %get3A_14 : vector<1024x64xf32>
    %get3A_16 = arith.constant 0 : index
    %get3A_17 = arith.constant 0 : index
    %get3A_18 = vector.load %arg3[%get3A_16, %get3A_17] : memref<1024x64xf32, #tpu.memory_space<vmem>>, vector<1024x64xf32>
    %add3A_19 = arith.addf %add3A_15, %get3A_18 : vector<1024x64xf32>
    %mul3A = vector.broadcast %rsqrt3A : vector<1024x1xf32> to vector<1024x64xf32>
    %mul3A_20 = arith.mulf %add3A_19, %mul3A : vector<1024x64xf32>
    %get3A_21 = arith.constant 0 : index
    %get3A_22 = arith.constant 0 : index
    %get3A_23 = vector.load %arg6[%get3A_21, %get3A_22] : memref<1x64xf32, #tpu.memory_space<vmem>>, vector<1x64xf32>
    %add3A_24 = vector.broadcast %get3A_23 : vector<1x64xf32> to vector<1024x64xf32>
    %add3A_25 = arith.addf %mul3A_20, %add3A_24 : vector<1024x64xf32>
    %max3A = arith.constant 0.000000e+00 : f32
    %max3A_26 = vector.broadcast %max3A : f32 to vector<1024x64xf32>
    %max3A_27 = arith.maximumf %add3A_25, %max3A_26 : vector<1024x64xf32>
    %get3A_28 = arith.constant 0 : index
    %get3A_29 = arith.constant 0 : index
    %get3A_30 = vector.load %arg7[%get3A_28, %get3A_29] : memref<64x32xf32, #tpu.memory_space<vmem>>, vector<64x32xf32>
    %dot_general3A = arith.constant dense<0.000000e+00> : vector<1024x32xf32>
    %dot_general3A_31 = tpu.matmul %max3A_27, %get3A_30, %dot_general3A {dimension_numbers = #tpu.dot_dimension_numbers<[1], [0], [0], [1], [0, 0, 1, 1], [], []>, transpose_lhs_hint = false} : vector<1024x64xf32>, vector<64x32xf32>, vector<1024x32xf32> -> vector<1024x32xf32>
    %mul3A_32 = vector.broadcast %rsqrt3A : vector<1024x1xf32> to vector<1024x32xf32>
    %mul3A_33 = arith.mulf %dot_general3A_31, %mul3A_32 : vector<1024x32xf32>
    %swap3A = arith.constant 0 : index
    %swap3A_34 = arith.constant 0 : index
    %swap3A_35 = vector.load %arg8[%swap3A, %swap3A_34] : memref<1024x32xf32, #tpu.memory_space<vmem>>, vector<1024x32xf32>
    tpu.vector_store %arg8[%swap3A, %swap3A_34], %mul3A_33 {strides = array<i32>} : memref<1024x32xf32, #tpu.memory_space<vmem>>, vector<1024x32xf32>,
    return
  }
  func.func @transform_0(%arg0: i32) -> (i32, i32) {
    %c0_i32 = arith.constant 0 : i32
    %c0_i32_0 = arith.constant 0 : i32
    return %arg0, %c0_i32 : i32, i32
  }
  func.func @transform_1(%arg0: i32) -> (i32, i32) {
    %c0_i32 = arith.constant 0 : i32
    %c0_i32_0 = arith.constant 0 : i32
    return %arg0, %c0_i32 : i32, i32
  }
  func.func @transform_2(%arg0: i32) -> (i32, i32) {
    %c0_i32 = arith.constant 0 : i32
    %c0_i32_0 = arith.constant 0 : i32
    return %arg0, %c0_i32 : i32, i32
  }
  func.func @transform_3(%arg0: i32) -> (i32, i32) {
    %c0_i32 = arith.constant 0 : i32
    %c0_i32_0 = arith.constant 0 : i32
    return %arg0, %c0_i32 : i32, i32
  }
  func.func @transform_4(%arg0: i32) -> (i32, i32) {
    %c0_i32 = arith.constant 0 : i32
    %c0_i32_0 = arith.constant 0 : i32
    return %arg0, %c0_i32 : i32, i32
  }
  func.func @transform_5(%arg0: i32) -> (i32, i32) {
    %c0_i32 = arith.constant 0 : i32
    %c0_i32_0 = arith.constant 0 : i32
    %c0_i32_1 = arith.constant 0 : i32
    return %c0_i32, %c0_i32_0 : i32, i32
  }
  func.func @transform_6(%arg0: i32) -> (i32, i32) {
    %c0_i32 = arith.constant 0 : i32
    %c0_i32_0 = arith.constant 0 : i32
    %c0_i32_1 = arith.constant 0 : i32
    return %c0_i32, %c0_i32_0 : i32, i32
  }
  func.func @transform_7(%arg0: i32) -> (i32, i32) {
    %c0_i32 = arith.constant 0 : i32
    %c0_i32_0 = arith.constant 0 : i32
    return %arg0, %c0_i32 : i32, i32
  }
}

module attributes {stable_mosaic.version = 14 : i64} {
  func.func @_tc_mid_body(%arg0: i32, %arg1: memref<1024x32xf32, #tpu.memory_space<vmem>>, %arg2: memref<1024x32xf32, #tpu.memory_space<vmem>>, %arg3: memref<1024x32xf32, #tpu.memory_space<vmem>>, %arg4: memref<1024x16xf32, #tpu.memory_space<vmem>>, %arg5: memref<1024x16xf32, #tpu.memory_space<vmem>>, %arg6: memref<1x32xf32, #tpu.memory_space<vmem>>, %arg7: memref<32x16xf32, #tpu.memory_space<vmem>>, %arg8: memref<1024x16xf32, #tpu.memory_space<vmem>>) attributes {dimension_semantics = [#tpu.dimension_semantics<arbitrary>], iteration_bounds = array<i64: 10>, scalar_prefetch = 0 : i64, scratch_operands = 0 : i64, tpu.core_type = #tpu.core_type<tc>, window_params = [{transform_indices = @transform_0, window_bounds = array<i64: 1024, 32>}, {transform_indices = @transform_1, window_bounds = array<i64: 1024, 32>}, {transform_indices = @transform_2, window_bounds = array<i64: 1024, 32>}, {transform_indices = @transform_3, window_bounds = array<i64: 1024, 16>}, {transform_indices = @transform_4, window_bounds = array<i64: 1024, 16>}, {pipeline_mode = #tpu.pipeline_mode<synchronous>, transform_indices = @transform_5, window_bounds = array<i64: 1, 32>}, {pipeline_mode = #tpu.pipeline_mode<synchronous>, transform_indices = @transform_6, window_bounds = array<i64: 32, 16>}, {transform_indices = @transform_7, window_bounds = array<i64: 1024, 16>}]} {
    %get3A = arith.constant 0 : index
    %get3A_0 = arith.constant 0 : index
    %get3A_1 = vector.load %arg4[%get3A, %get3A_0] : memref<1024x16xf32, #tpu.memory_space<vmem>>, vector<1024x16xf32>
    %get3A_2 = arith.constant 0 : index
    %get3A_3 = arith.constant 0 : index
    %get3A_4 = vector.load %arg5[%get3A_2, %get3A_3] : memref<1024x16xf32, #tpu.memory_space<vmem>>, vector<1024x16xf32>
    %add3A = arith.addf %get3A_1, %get3A_4 : vector<1024x16xf32>
    %reduce_sum3A = arith.constant dense<0.000000e+00> : vector<1024xf32>
    %reduce_sum3A_5 = vector.multi_reduction <add>, %add3A, %reduce_sum3A [1] : vector<1024x16xf32> to vector<1024xf32>
    %broadcast_in_dim3A = vector.shape_cast %reduce_sum3A_5 : vector<1024xf32> to vector<1024x1xf32>
    %add3A_6 = arith.constant 1.000000e+00 : f32
    %add3A_7 = vector.broadcast %add3A_6 : f32 to vector<1024x1xf32>
    %add3A_8 = arith.addf %broadcast_in_dim3A, %add3A_7 : vector<1024x1xf32>
    %rsqrt3A = math.rsqrt %add3A_8 : vector<1024x1xf32>
    %get3A_9 = arith.constant 0 : index
    %get3A_10 = arith.constant 0 : index
    %get3A_11 = vector.load %arg1[%get3A_9, %get3A_10] : memref<1024x32xf32, #tpu.memory_space<vmem>>, vector<1024x32xf32>
    %get3A_12 = arith.constant 0 : index
    %get3A_13 = arith.constant 0 : index
    %get3A_14 = vector.load %arg2[%get3A_12, %get3A_13] : memref<1024x32xf32, #tpu.memory_space<vmem>>, vector<1024x32xf32>
    %add3A_15 = arith.addf %get3A_11, %get3A_14 : vector<1024x32xf32>
    %get3A_16 = arith.constant 0 : index
    %get3A_17 = arith.constant 0 : index
    %get3A_18 = vector.load %arg3[%get3A_16, %get3A_17] : memref<1024x32xf32, #tpu.memory_space<vmem>>, vector<1024x32xf32>
    %add3A_19 = arith.addf %add3A_15, %get3A_18 : vector<1024x32xf32>
    %mul3A = vector.broadcast %rsqrt3A : vector<1024x1xf32> to vector<1024x32xf32>
    %mul3A_20 = arith.mulf %add3A_19, %mul3A : vector<1024x32xf32>
    %get3A_21 = arith.constant 0 : index
    %get3A_22 = arith.constant 0 : index
    %get3A_23 = vector.load %arg6[%get3A_21, %get3A_22] : memref<1x32xf32, #tpu.memory_space<vmem>>, vector<1x32xf32>
    %add3A_24 = vector.broadcast %get3A_23 : vector<1x32xf32> to vector<1024x32xf32>
    %add3A_25 = arith.addf %mul3A_20, %add3A_24 : vector<1024x32xf32>
    %max3A = arith.constant 0.000000e+00 : f32
    %max3A_26 = vector.broadcast %max3A : f32 to vector<1024x32xf32>
    %max3A_27 = arith.maximumf %add3A_25, %max3A_26 : vector<1024x32xf32>
    %get3A_28 = arith.constant 0 : index
    %get3A_29 = arith.constant 0 : index
    %get3A_30 = vector.load %arg7[%get3A_28, %get3A_29] : memref<32x16xf32, #tpu.memory_space<vmem>>, vector<32x16xf32>
    %dot_general3A = arith.constant dense<0.000000e+00> : vector<1024x16xf32>
    %dot_general3A_31 = tpu.matmul %max3A_27, %get3A_30, %dot_general3A {dimension_numbers = #tpu.dot_dimension_numbers<[1], [0], [0], [1], [0, 0, 1, 1], [], []>, transpose_lhs_hint = false} : vector<1024x32xf32>, vector<32x16xf32>, vector<1024x16xf32> -> vector<1024x16xf32>
    %mul3A_32 = vector.broadcast %rsqrt3A : vector<1024x1xf32> to vector<1024x16xf32>
    %mul3A_33 = arith.mulf %dot_general3A_31, %mul3A_32 : vector<1024x16xf32>
    %swap3A = arith.constant 0 : index
    %swap3A_34 = arith.constant 0 : index
    %swap3A_35 = vector.load %arg8[%swap3A, %swap3A_34] : memref<1024x16xf32, #tpu.memory_space<vmem>>, vector<1024x16xf32>
    tpu.vector_store %arg8[%swap3A, %swap3A_34], %mul3A_33 {strides = array<i32>} : memref<1024x16xf32, #tpu.memory_space<vmem>>, vector<1024x16xf32>,
    return
  }
  func.func @transform_0(%arg0: i32) -> (i32, i32) {
    %c0_i32 = arith.constant 0 : i32
    %c0_i32_0 = arith.constant 0 : i32
    return %arg0, %c0_i32 : i32, i32
  }
  func.func @transform_1(%arg0: i32) -> (i32, i32) {
    %c0_i32 = arith.constant 0 : i32
    %c0_i32_0 = arith.constant 0 : i32
    return %arg0, %c0_i32 : i32, i32
  }
  func.func @transform_2(%arg0: i32) -> (i32, i32) {
    %c0_i32 = arith.constant 0 : i32
    %c0_i32_0 = arith.constant 0 : i32
    return %arg0, %c0_i32 : i32, i32
  }
  func.func @transform_3(%arg0: i32) -> (i32, i32) {
    %c0_i32 = arith.constant 0 : i32
    %c0_i32_0 = arith.constant 0 : i32
    return %arg0, %c0_i32 : i32, i32
  }
  func.func @transform_4(%arg0: i32) -> (i32, i32) {
    %c0_i32 = arith.constant 0 : i32
    %c0_i32_0 = arith.constant 0 : i32
    return %arg0, %c0_i32 : i32, i32
  }
  func.func @transform_5(%arg0: i32) -> (i32, i32) {
    %c0_i32 = arith.constant 0 : i32
    %c0_i32_0 = arith.constant 0 : i32
    %c0_i32_1 = arith.constant 0 : i32
    return %c0_i32, %c0_i32_0 : i32, i32
  }
  func.func @transform_6(%arg0: i32) -> (i32, i32) {
    %c0_i32 = arith.constant 0 : i32
    %c0_i32_0 = arith.constant 0 : i32
    %c0_i32_1 = arith.constant 0 : i32
    return %c0_i32, %c0_i32_0 : i32, i32
  }
  func.func @transform_7(%arg0: i32) -> (i32, i32) {
    %c0_i32 = arith.constant 0 : i32
    %c0_i32_0 = arith.constant 0 : i32
    return %arg0, %c0_i32 : i32, i32
  }
}

module attributes {stable_mosaic.version = 14 : i64} {
  func.func @_tc_last_body(%arg0: i32, %arg1: memref<1024x16xf32, #tpu.memory_space<vmem>>, %arg2: memref<1024x16xf32, #tpu.memory_space<vmem>>, %arg3: memref<1024x16xf32, #tpu.memory_space<vmem>>, %arg4: memref<1024x16xf32, #tpu.memory_space<vmem>>, %arg5: memref<1024x16xf32, #tpu.memory_space<vmem>>, %arg6: memref<1x16xf32, #tpu.memory_space<vmem>>, %arg7: memref<16x1xf32, #tpu.memory_space<vmem>>, %arg8: memref<1x1xf32, #tpu.memory_space<vmem>>, %arg9: memref<1024x1xf32, #tpu.memory_space<vmem>>) attributes {dimension_semantics = [#tpu.dimension_semantics<arbitrary>], iteration_bounds = array<i64: 10>, scalar_prefetch = 0 : i64, scratch_operands = 0 : i64, tpu.core_type = #tpu.core_type<tc>, window_params = [{transform_indices = @transform_0, window_bounds = array<i64: 1024, 16>}, {transform_indices = @transform_1, window_bounds = array<i64: 1024, 16>}, {transform_indices = @transform_2, window_bounds = array<i64: 1024, 16>}, {transform_indices = @transform_3, window_bounds = array<i64: 1024, 16>}, {transform_indices = @transform_4, window_bounds = array<i64: 1024, 16>}, {pipeline_mode = #tpu.pipeline_mode<synchronous>, transform_indices = @transform_5, window_bounds = array<i64: 1, 16>}, {pipeline_mode = #tpu.pipeline_mode<synchronous>, transform_indices = @transform_6, window_bounds = array<i64: 16, 1>}, {pipeline_mode = #tpu.pipeline_mode<synchronous>, transform_indices = @transform_7, window_bounds = array<i64: 1, 1>}, {transform_indices = @transform_8, window_bounds = array<i64: 1024, 1>}]} {
    %get3A = arith.constant 0 : index
    %get3A_0 = arith.constant 0 : index
    %get3A_1 = vector.load %arg4[%get3A, %get3A_0] : memref<1024x16xf32, #tpu.memory_space<vmem>>, vector<1024x16xf32>
    %get3A_2 = arith.constant 0 : index
    %get3A_3 = arith.constant 0 : index
    %get3A_4 = vector.load %arg5[%get3A_2, %get3A_3] : memref<1024x16xf32, #tpu.memory_space<vmem>>, vector<1024x16xf32>
    %add3A = arith.addf %get3A_1, %get3A_4 : vector<1024x16xf32>
    %reduce_sum3A = arith.constant dense<0.000000e+00> : vector<1024xf32>
    %reduce_sum3A_5 = vector.multi_reduction <add>, %add3A, %reduce_sum3A [1] : vector<1024x16xf32> to vector<1024xf32>
    %broadcast_in_dim3A = vector.shape_cast %reduce_sum3A_5 : vector<1024xf32> to vector<1024x1xf32>
    %add3A_6 = arith.constant 1.000000e+00 : f32
    %add3A_7 = vector.broadcast %add3A_6 : f32 to vector<1024x1xf32>
    %add3A_8 = arith.addf %broadcast_in_dim3A, %add3A_7 : vector<1024x1xf32>
    %rsqrt3A = math.rsqrt %add3A_8 : vector<1024x1xf32>
    %get3A_9 = arith.constant 0 : index
    %get3A_10 = arith.constant 0 : index
    %get3A_11 = vector.load %arg1[%get3A_9, %get3A_10] : memref<1024x16xf32, #tpu.memory_space<vmem>>, vector<1024x16xf32>
    %get3A_12 = arith.constant 0 : index
    %get3A_13 = arith.constant 0 : index
    %get3A_14 = vector.load %arg2[%get3A_12, %get3A_13] : memref<1024x16xf32, #tpu.memory_space<vmem>>, vector<1024x16xf32>
    %add3A_15 = arith.addf %get3A_11, %get3A_14 : vector<1024x16xf32>
    %get3A_16 = arith.constant 0 : index
    %get3A_17 = arith.constant 0 : index
    %get3A_18 = vector.load %arg3[%get3A_16, %get3A_17] : memref<1024x16xf32, #tpu.memory_space<vmem>>, vector<1024x16xf32>
    %add3A_19 = arith.addf %add3A_15, %get3A_18 : vector<1024x16xf32>
    %mul3A = vector.broadcast %rsqrt3A : vector<1024x1xf32> to vector<1024x16xf32>
    %mul3A_20 = arith.mulf %add3A_19, %mul3A : vector<1024x16xf32>
    %get3A_21 = arith.constant 0 : index
    %get3A_22 = arith.constant 0 : index
    %get3A_23 = vector.load %arg6[%get3A_21, %get3A_22] : memref<1x16xf32, #tpu.memory_space<vmem>>, vector<1x16xf32>
    %add3A_24 = vector.broadcast %get3A_23 : vector<1x16xf32> to vector<1024x16xf32>
    %add3A_25 = arith.addf %mul3A_20, %add3A_24 : vector<1024x16xf32>
    %max3A = arith.constant 0.000000e+00 : f32
    %max3A_26 = vector.broadcast %max3A : f32 to vector<1024x16xf32>
    %max3A_27 = arith.maximumf %add3A_25, %max3A_26 : vector<1024x16xf32>
    %get3A_28 = arith.constant 0 : index
    %get3A_29 = arith.constant 0 : index
    %get3A_30 = vector.load %arg7[%get3A_28, %get3A_29] : memref<16x1xf32, #tpu.memory_space<vmem>>, vector<16x1xf32>
    %dot_general3A = arith.constant dense<0.000000e+00> : vector<1024x1xf32>
    %dot_general3A_31 = tpu.matmul %max3A_27, %get3A_30, %dot_general3A {dimension_numbers = #tpu.dot_dimension_numbers<[1], [0], [0], [1], [0, 0, 1, 1], [], []>, transpose_lhs_hint = false} : vector<1024x16xf32>, vector<16x1xf32>, vector<1024x1xf32> -> vector<1024x1xf32>
    %get3A_32 = arith.constant 0 : index
    %get3A_33 = arith.constant 0 : index
    %get3A_34 = vector.load %arg8[%get3A_32, %get3A_33] : memref<1x1xf32, #tpu.memory_space<vmem>>, vector<1x1xf32>
    %add3A_35 = vector.broadcast %get3A_34 : vector<1x1xf32> to vector<1024x1xf32>
    %add3A_36 = arith.addf %dot_general3A_31, %add3A_35 : vector<1024x1xf32>
    %swap3A = arith.constant 0 : index
    %swap3A_37 = arith.constant 0 : index
    %swap3A_38 = vector.load %arg9[%swap3A, %swap3A_37] : memref<1024x1xf32, #tpu.memory_space<vmem>>, vector<1024x1xf32>
    tpu.vector_store %arg9[%swap3A, %swap3A_37], %add3A_36 {strides = array<i32>} : memref<1024x1xf32, #tpu.memory_space<vmem>>, vector<1024x1xf32>,
    return
  }
  func.func @transform_0(%arg0: i32) -> (i32, i32) {
    %c0_i32 = arith.constant 0 : i32
    %c0_i32_0 = arith.constant 0 : i32
    return %arg0, %c0_i32 : i32, i32
  }
  func.func @transform_1(%arg0: i32) -> (i32, i32) {
    %c0_i32 = arith.constant 0 : i32
    %c0_i32_0 = arith.constant 0 : i32
    return %arg0, %c0_i32 : i32, i32
  }
  func.func @transform_2(%arg0: i32) -> (i32, i32) {
    %c0_i32 = arith.constant 0 : i32
    %c0_i32_0 = arith.constant 0 : i32
    return %arg0, %c0_i32 : i32, i32
  }
  func.func @transform_3(%arg0: i32) -> (i32, i32) {
    %c0_i32 = arith.constant 0 : i32
    %c0_i32_0 = arith.constant 0 : i32
    return %arg0, %c0_i32 : i32, i32
  }
  func.func @transform_4(%arg0: i32) -> (i32, i32) {
    %c0_i32 = arith.constant 0 : i32
    %c0_i32_0 = arith.constant 0 : i32
    return %arg0, %c0_i32 : i32, i32
  }
  func.func @transform_5(%arg0: i32) -> (i32, i32) {
    %c0_i32 = arith.constant 0 : i32
    %c0_i32_0 = arith.constant 0 : i32
    %c0_i32_1 = arith.constant 0 : i32
    return %c0_i32, %c0_i32_0 : i32, i32
  }
  func.func @transform_6(%arg0: i32) -> (i32, i32) {
    %c0_i32 = arith.constant 0 : i32
    %c0_i32_0 = arith.constant 0 : i32
    %c0_i32_1 = arith.constant 0 : i32
    return %c0_i32, %c0_i32_0 : i32, i32
  }
  func.func @transform_7(%arg0: i32) -> (i32, i32) {
    %c0_i32 = arith.constant 0 : i32
    %c0_i32_0 = arith.constant 0 : i32
    %c0_i32_1 = arith.constant 0 : i32
    return %c0_i32, %c0_i32_0 : i32, i32
  }
  func.func @transform_8(%arg0: i32) -> (i32, i32) {
    %c0_i32 = arith.constant 0 : i32
    %c0_i32_0 = arith.constant 0 : i32
    return %arg0, %c0_i32 : i32, i32
  }
}

</mosaic_0001>

<sc_bundles>
// kernel: kernel.10.cloned.1.call-start
scs
__scs_entry_jumppad:
0x0: {  	(pc) =	sbr.rel $0x88, $3  }
0x1: {  	(tag) =	ssettag $0x0;
	lr =	simm.s32 $0x1  }
0x2: {  	[smem:$0x3F97] =	sst lr;
	_ =	strace $0xD0000000  }
0x3: {  	_ = 	snop  }
0x4: {  	_ = 	snop  }
0x5: {  	_ = 	snop  }
0x6: {  	_ = 	snop  }
0x7: {  	_ = 	snop  }
__scs_overlays_trampoline_lowered:
0x8: {  	[smem:$0x3FA6] =	sst s0  }
0x9: {  	[smem:$0x3FA7] =	sst s1  }
0xa: {  	[smem:$0x3FA8] =	sst s2  }
0xb: {  	[smem:$0x3FA9] =	sst s3  }
0xc: {  	[smem:$0x3FAA] =	sst s4  }
0xd: {  	[smem:$0x3FAB] =	sst s5  }
0xe: {  	[smem:$0x3FAC] =	sst s6  }
0xf: {  	[smem:$0x3FAD] =	sst s7  }
0x10: {  	[smem:$0x3FAE] =	sst s8  }
0x11: {  	[smem:$0x3FAF] =	sst s9;
	s0 =	simm.s32 @!p0 $0x0  }
0x12: {  	s1 =	sld [smem:$0x3F95];
	s0 =	simm.s32 @p0 $0x1  }
0x13: {  	[smem:$0x3FB0] =	sst s0;
	s0 =	simm.s32 @!p1 $0x0  }
0x14: {  	s2 =	sld [smem:$0x3F94];
	s0 =	simm.s32 @p1 $0x1  }
0x15: {  	[smem:$0x3FB1] =	sst s0;
	s0 =	simm.s32 @!p2 $0x0  }
0x16: {  	s3 =	sld [smem:$0x3FDB];
	s0 =	simm.s32 @p2 $0x1  }
0x17: {  	s4 =	simm.s32 $0x1BF5;
	[smem:$0x3FB3] =	sst s0  }
0x18: {  	s0 =	sld [smem:$0x3F96];
	_ =	swait.ge [sflag:s4], $0x0  }
0x19: {  	s7 =	sld [smem:$0x3F97]  }
0x1a: {  	s8 =	sadd.s32 $0xFFFFE003, lr  }
0x1b: {  	s9 =	sadd.s32 $0xFFFFFEF7, lr;
	s5 =	simm.s32 $0xFFFFFFFF;
	p2 =	slt.u32 s8, $0xFFFFF086  }
0x1c: {  	p1 =	slt.u32 s9, $0xF7A;
	s5 =	simm.s32 @!p2 $0x0  }
0x1d: {  	s5 =	simm.s32 @p1 $0x1;
	p0 =	seq.s32 s7, s2  }
0x1e: {  	s7 =	smul.u32 @!p0 $0xF7A, s2;
	p2 =	seq.s32 @!p0 s5, $0x0  }
0x1f: {  	s9 =	smul.u32 $0xF7A, s1;
	s8 =	simm.s32 @!p0 $0x1BF5;
	p2 =	por !p2, p0  }
0x20: {  	[sflag:s8] =	ssyncset.s32 @!p0 $0xFFFFF086;
	s6 =	sadd.s32 @!p0 s3, s7;
	s7 =	simm.s32 @!p0 $0x108  }
0x21: {  	s3 =	sadd.s32 s3, s9;
	s6 =	sadd.s32 @!p0 $0x88, s6;
	s7 =	simm.s32 @p2 $0x1082  }
0x22: {  	[simem:s7], [sflag:s8] =	dma.local @!p0 [hbm:s6], $0xF7A  }
0x23: {  	s9 =	sor.u32 $0xD0000000, s2;
	s6 =	simm.s32 $0x108;
	_ =	swait.ge @!p0 [sflag:s8], $0x0  }
0x24: {  	s3 =	sadd.s32 $0x88, s3;
	s6 =	simm.s32 @!p1 $0x1082;
	[sflag:s4] =	ssyncset.s32 $0xFFFFF086  }
0x25: {  	[simem:s6], [sflag:s4] =	dma.local [hbm:s3], $0xF7A  }
0x26: {  	[smem:$0x3F97] =	sst s1;
	(tag) =	ssettag s2;
	_ =	strace s9  }
0x27: {  	s1 =	sld [smem:$0x3FA7]  }
0x28: {  	s2 =	sld [smem:$0x3FA8]  }
0x29: {  	s4 =	sld [smem:$0x3FAA]  }
0x2a: {  	p0 =	seq.s32 s5, $0x0;
	s5 =	sld [smem:$0x3FAB]  }
0x2b: {  	s6 =	sld [smem:$0x3FAC]  }
0x2c: {  	s7 =	sld [smem:$0x3FAD]  }
0x2d: {  	s3 =	simm.s32 $0x108;
	s8 =	sld [smem:$0x3FAE]  }
0x2e: {  	s3 =	simm.s32 @!p0 $0x1082;
	s9 =	sld [smem:$0x3FAF]  }
0x2f: {  	lr =	sadd.s32 s0, s3;
	s0 =	sld [smem:$0x3FA6]  }
0x30: {  	s3 =	sld [smem:$0x3FA9]  }
0x31: {  	[smem:$0x3FB2] =	sst s10  }
0x32: {  	s10 =	sld [smem:$0x3FB0];
	_ =	sdelay $0x3  }
0x33: {  	p0 =	seq.s32 s10, $0x1;
	s10 =	sld [smem:$0x3FB2];
	_ =	sdelay $0x3  }
0x34: {  	[smem:$0x3FB2] =	sst s10  }
0x35: {  	s10 =	sld [smem:$0x3FB1];
	_ =	sdelay $0x3  }
0x36: {  	p1 =	seq.s32 s10, $0x1;
	s10 =	sld [smem:$0x3FB2];
	_ =	sdelay $0x3  }
0x37: {  	[smem:$0x3FB2] =	sst s10  }
0x38: {  	s10 =	sld [smem:$0x3FB3]  }
0x39: {  	_ = 	snop;
	(pc) =	sbr.ind lr, $3  }
0x3a: {  	_ = 	snop  }
0x3b: {  	_ = 	snop  }
0x3c: {  	p2 =	seq.s32 s10, $0x1;
	s10 =	sld [smem:$0x3FB2]  }
0x3d: {  	_ =	shalt  }
0x3e: {  	_ =	shalt  }
0x3f: {  	_ =	shalt  }
0x40: {  	_ =	shalt  }
0x41: {  	_ =	shalt  }
0x42: {  	_ =	shalt  }
0x43: {  	_ =	shalt  }
0x44: {  	_ =	shalt  }
0x45: {  	_ =	shalt  }
0x46: {  	_ =	shalt  }
0x47: {  	_ =	shalt  }
0x48: {  	_ =	shalt  }
0x49: {  	_ =	shalt  }
0x4a: {  	_ =	shalt  }
0x4b: {  	_ =	shalt  }
0x4c: {  	_ =	shalt  }
0x4d: {  	_ =	shalt  }
0x4e: {  	_ =	shalt  }
0x4f: {  	_ =	shalt  }
0x50: {  	_ =	shalt  }
0x51: {  	_ =	shalt  }
0x52: {  	_ =	shalt  }
0x53: {  	_ =	shalt  }
0x54: {  	_ =	shalt  }
0x55: {  	_ =	shalt  }
0x56: {  	_ =	shalt  }
0x57: {  	_ =	shalt  }
0x58: {  	_ =	shalt  }
0x59: {  	_ =	shalt  }
0x5a: {  	_ =	shalt  }
0x5b: {  	_ =	shalt  }
0x5c: {  	_ =	shalt  }
0x5d: {  	_ =	shalt  }
0x5e: {  	_ =	shalt  }
0x5f: {  	_ =	shalt  }
0x60: {  	_ =	shalt  }
0x61: {  	_ =	shalt  }
0x62: {  	_ =	shalt  }
0x63: {  	_ =	shalt  }
0x64: {  	_ =	shalt  }
0x65: {  	_ =	shalt  }
0x66: {  	_ =	shalt  }
0x67: {  	_ =	shalt  }
0x68: {  	_ =	shalt  }
0x69: {  	_ =	shalt  }
0x6a: {  	_ =	shalt  }
0x6b: {  	_ =	shalt  }
0x6c: {  	_ =	shalt  }
0x6d: {  	_ =	shalt  }
0x6e: {  	_ =	shalt  }
0x6f: {  	_ =	shalt  }
0x70: {  	_ =	shalt  }
0x71: {  	_ =	shalt  }
0x72: {  	_ =	shalt  }
0x73: {  	_ =	shalt  }
0x74: {  	_ =	shalt  }
0x75: {  	_ =	shalt  }
0x76: {  	_ =	shalt  }
0x77: {  	_ =	shalt  }
0x78: {  	_ =	shalt  }
0x79: {  	_ =	shalt  }
0x7a: {  	_ =	shalt  }
0x7b: {  	_ =	shalt  }
0x7c: {  	_ =	shalt  }
0x7d: {  	_ =	shalt  }
0x7e: {  	_ =	shalt  }
0x7f: {  	_ =	shalt  }
0x80: {  	_ =	shalt  }
0x81: {  	_ =	shalt  }
0x82: {  	_ =	shalt  }
0x83: {  	_ =	shalt  }
0x84: {  	_ =	shalt  }
0x85: {  	_ =	shalt  }
0x86: {  	_ =	shalt  }
0x87: {  	_ =	shalt  }
.Lfunc_end0:
.L_simem_size_0:
called_computation_lowered:
.L_overlay_start_0:
0x88: {  	s2 =	sld [smem:$0x3FD9]  }
0x89: {  	s3 =	sld [smem:$0x3FFE];
	_ =	sdelay $0x1  }
0x8a: {  	s1 =	srdreg.scid  }
0x8b: {  	s0 =	sand.u32 $0x1, s1  }
0x8c: {  	s16 =	sshll.u32 s0, $0xA;
	s2 =	sadd.s32 s3, s2  }
0x8d: {  	s2 =	sadd.s32 s2, s16  }
0x8e: {  	[smem:$0x3FBE] =	sst s2  }
0x8f: {  	_ = 	snop  }
0x90: {  	(tm) =	ssettm $0x1  }
0x91: {  	s17 =	sld [smem:$0x3FFB];
	_ =	sdelay $0x3  }
0x92: {  	_ =	strace s17  }
0x93: {  	s2 =	sld [smem:$0x3FFC];
	_ =	sdelay $0x3  }
0x94: {  	_ =	strace s2  }
0x95: {  	s2 =	sld [smem:$0x3FFD];
	_ =	sdelay $0x3  }
0x96: {  	_ =	strace s2  }
0x97: {  	_ =	strace $0x8FFFFFFF  }
0x98: {  	s18 =	sld [smem:$0x3FDB];
	_ =	sdelay $0x1  }
0x99: {  	s19 =	simm.s32 $_scs_section_size  }
0x9a: {  	s4 =	simm.s32 $_size__tile_overlayer_lowered;
	s5 =	simm.s32 $_tile_overlayer_lowered  }
0x9b: {  	s22 =	simm.s32 $0x1BFF;
	s21 =	sshll.u32 s5, $0x1;
	s2 =	sadd.s32 s19, s18  }
0x9c: {  	s6 =	simm.s32 $0x0;
	s20 =	sshll.u32 s4, $0x1;
	s4 =	sadd.s32 s21, s2  }
0x9d: {  	[timem:s6], [sflag:s22] =	dma.local [hbm:s4], s20  }
0x9e: {  	_ =	swait.ge [sflag:s22], s20  }
0x9f: {  	s3 =	ssub.s32 $0x0, s20;
	[sflag:s22] =	ssyncset.done $0x0  }
0xa0: {  	[sflag:s22] =	ssyncadd.s32 s3;
	_ =	sdelay $0x1  }
0xa1: {  	s23 =	simm.s32 $0x1B8B  }
0xa2: {  	_ =	swait.ge [sflag:s23], $0x1  }
0xa3: {  	[sflag:s23] =	ssyncset.done $0x0  }
0xa4: {  	s25 =	simm.s32 $0x1B8E;
	s24 =	sld [smem:$0x3FFE];
	[sflag:s23] =	ssyncadd.s32 $0xFFFFFFFF  }
0xa5: {  	s26 =	simm.s32 $execute0_lowered;
	[smem:$0x3FD2] =	sst s25  }
0xa6: {  	s4 =	sshll.u32 s26, $0x1;
	_ =	strace $0x80000046;
	[dreg:$0x1] =	wrdreg $0xFFFFFFFF  }
0xa7: {  	s28 =	simm.s32 $_size_execute0_lowered;
	s2 =	sadd.s32 s2, s4;
	[dreg:$0x0] =	wrdreg $0x0  }
0xa8: {  	s4 =	sshll.u32 s28, $0x1;
	[dreg:$0x2] =	wrdreg s2  }
0xa9: {  	[dreg:$0x3] =	wrdreg s4  }
0xaa: {  	[dreg:$0x4] =	wrdreg $0xC0  }
0xab: {  	_ =	task [dreg:s6], $0x5FFFF  }
0xac: {  	[dreg:$0x1] =	wrdreg $0xFFFFFFFF  }
0xad: {  	[dreg:$0x0] =	wrdreg $0x60  }
0xae: {  	[dreg:$0x2] =	wrdreg s24  }
0xaf: {  	[dreg:$0x3] =	wrdreg $0x30800  }
0xb0: {  	[dreg:$0x4] =	wrdreg $0x9  }
0xb1: {  	_ =	task.clear_ibuf [dreg:s6], $0x5FFFF;
	_ =	strace $0x90000046  }
0xb2: {  	s29 =	simm.s32 $0x9;
	_ =	strace $0x80000048  }
0xb3: {  	_ =	swait.ge [sflag:s29], $0x1  }
0xb4: {  	[sflag:s29] =	ssyncadd.s32 $0xFFFFFFFF  }
0xb5: {  	_ =	strace $0x90000048  }
0xb6: {  	_ =	sfence  }
0xb7: {  	s30 =	sld [smem:$0x0];
	_ =	sdelay $0x2  }
0xb8: {  	s31 =	sshll.u32 s1, $0xD;
	s1 =	sshrl.u32 s1, $0x2  }
0xb9: {  	s3 =	sand.u32 $0x4000, s31;
	s1 =	sadd.s32 s1, s30  }
0xba: {  	s0 =	sor.u32 s3, s0;
	s1 =	sshll.u32 s1, $0x11  }
0xbb: {  	s0 =	sor.u32 s1, s0  }
0xbc: {  	s0 =	sadd.s32 $0x8F2B, s0  }
0xbd: {  	[sflag:s0] =	ssyncadd.remote.s32 $0x1  }
0xbe: {  	_ =	sfence.sel $0xFFFF  }
0xbf: {  	[dreg:$0x0] =	wrdreg $0xFFFFFFFF;
	(pc) =	sbr.abs _section_cstart, $3  }
0xc0: {  	[dreg:$0x1] =	wrdreg $0xFFFFFFFF  }
0xc1: {  	_ =	task.clear_ibuf [dreg:s6], $0x2FFFF;
	_ =	strace $0x9FFFFFFF  }
0xc2: {  	(tm) =	ssettm $0x7FFFFFFF  }
0xc3: {  	_ =	shalt  }
tec
execute0_lowered:
.L_overlay_start_1:
0x0: {  	(tag) =	ssettag $0x1  }
0x1: {  	s6 =	rddreg [dreg:$0x0]  }
0x2: {  	s2 =	rddreg [dreg:$0x1]  }
0x3: {  	s0 =	rddreg [dreg:$0x2]  }
0x4: {  	s4 =	srdreg.scid;
	s3 =	simm.s32 $0x0;
	s1 =	stileid.u32  }
0x5: {  	s13 =	simm.s32 $0x0;
	s4 =	sand.u32 $0x1, s4;
	s5 =	smul.u32 $0x9E0, s1  }
0x6: {  	[smem:$0x7FF] =	sst s3;
	s30 =	smul.u32 $0x2800, s1;
	s11 =	sshll.u32 s1, $0x6  }
0x7: {  	s7 =	ssub.s32 $0x2, s4;
	_ =	strace $0x80000047;
	p0 =	seq.s32 s4, $0x1  }
0x8: {  	s10 =	smul.u32 $0x4F0, s4;
	s11 =	sor.u32 $0x1C01, s11;
	s8 =	sshrl.u32 s7, $0x1  }
0x9: {  	s9 =	sadd.s32 s5, s6;
	s4 =	sadd.s32 s30, s2;
	s29 =	ssub.s32 s7, s8  }
0xa: {  	s8 =	simm.s32 $0xE200;
	s7 =	sshrl.u32 s30, $0x3;
	s31 =	sadd.s32 s10, s9  }
0xb: {  	s9 =	simm.s32 $0x1;
	s10 =	simm.s32 $0x80;
	s8 =	simm.s32 @!p0 $0x13200  }
0xc: {  	v0 =	vimm.f32 $0.0e+00;
	vm0 =	vcmask $0x300;
	s12 =	sshrl.u32 s4, $0x3;
	s5 =	smax.u32 s29, $0x1;
	s6 =	sadd.s32 s8, s6  }
0xd: {  	v1 =	vsel vm0, $0x3F800000, v0;
	s8 =	simm.s32 $0x880;
	s6 =	sadd.s32 s6, s7;
	s7 =	sadd.s32 $0x4400, s31  }
.LBB2_1:
0xe: {  	s14 =	simm.s32 $0x0  }
.LBB2_2:
0xf: {  	p0 =	sne.s32 s14, $0x1FC0  }
.Ltmp0:
0x10: {  	_ = 	snop;
	(pc) =	sbr.rel @p0 .LBB2_2-.Ltmp0, $3  }
0x11: {  	_ =	sdelay $0x1  }
0x12: {  	s15 =	sshra.s32 s14, $0x2  }
0x13: {  	s14 =	sadd.s32 $0x40, s14;
	[tilespmem:s15+$0x80] =	vst v1  }
0x14: {  	s14 =	simm.s32 $0x40;
	s15 =	simm.s32 $0x0  }
.LBB2_4:
0x15: {  	p0 =	sne.s32 s14, $0x9FC0;
	[tilespmem:s15+$0x880] =	vst v0;
	s15 =	smov.u32 s14;
	s14 =	sadd.s32 $0x40, s14  }
.Ltmp1:
0x16: {  	(pc) =	sbr.rel @p0 .LBB2_4-.Ltmp1, $2  }
0x17: {  	_ =	sdelay $0x2  }
0x18: {  	s15 =	sshra.s32 s15, $0x2  }
0x19: {  	[tilespmem:s15+$0x880] =	vst v0  }
0x1a: {  	[spmem:s4] =	stream.linear.scatter [tilespmem:s8], [sflag:$0x1], $0x2800, $0x38;
	[tilespmem:$0x5880] =	vst v63  }
0x1b: {  	_ =	swait.ge [sflag:s9], $0x2800  }
0x1c: {  	[sflag:s9] =	ssyncset.done $0x0  }
0x1d: {  	[sflag:s9] =	ssyncadd.s32 $0xFFFFD800  }
0x1e: {  	s14 =	sadd.s32 $0x0, s7;
	[bflag:$0x0] =	sbarrier.arrive $0xFFFF  }
0x1f: {  	[tilespmem:s3], [sflag:$0x1] =	stream.linear.gather [hbm4b:s14+s3], $0x80, $0x38;
	[tilespmem:$0x5880] =	vst v63  }
0x20: {  	_ =	swait.ge [sflag:s9], $0x80  }
0x21: {  	[sflag:s9] =	ssyncset.done $0x0  }
0x22: {  	[sflag:s9] =	ssyncadd.s32 $0xFFFFFF80  }
0x23: {  	[spmem:s2] =	stream.indirect.scatter.add.f32 [tilespmem:s10], [sflag:$0x1], $0x10, s3, s10, $0xb8;
	[tilespmem:$0x5880] =	vst v63  }
0x24: {  	_ =	swait.ge [sflag:s9], $0x800  }
0x25: {  	s15 =	simm.s32 $0x20;
	s14 =	simm.s32 $0x10;
	[sflag:s9] =	ssyncset.done $0x0  }
.LBB2_6:
0x26: {  	s16 =	sadd.s32 s14, s7  }
0x27: {  	[sflag:s9] =	ssyncadd.s32 $0xFFFFF800;
	s14 =	smov.u32 s15;
	s17 =	sadd.s32 $0x10, s15  }
0x28: {  	[tilespmem:s3], [sflag:$0x1] =	stream.linear.gather [hbm4b:s16+s3], $0x80, $0x38;
	[tilespmem:$0x5880] =	vst v63  }
0x29: {  	p0 =	sne.s32 s15, $0x4E0;
	_ =	swait.ge [sflag:s9], $0x80  }
.Ltmp2:
0x2a: {  	[sflag:s9] =	ssyncset.done $0x0;
	(pc) =	sbr.rel @p0 .LBB2_6-.Ltmp2, $4  }
0x2b: {  	[sflag:s9] =	ssyncadd.s32 $0xFFFFFF80  }
0x2c: {  	[spmem:s2] =	stream.indirect.scatter.add.f32 [tilespmem:s10], [sflag:$0x1], $0x10, s3, s10, $0xb8;
	[tilespmem:$0x5880] =	vst v63  }
0x2d: {  	_ =	swait.ge [sflag:s9], $0x800  }
0x2e: {  	s15 =	smov.u32 s17;
	[sflag:s9] =	ssyncset.done $0x0  }
0x2f: {  	s14 =	sadd.s32 s14, s7;
	[sflag:s9] =	ssyncadd.s32 $0xFFFFF800  }
0x30: {  	[tilespmem:s3], [sflag:$0x1] =	stream.linear.gather [hbm4b:s14+s3], $0x80, $0x38;
	[tilespmem:$0x5880] =	vst v63  }
0x31: {  	_ =	swait.ge [sflag:s9], $0x80  }
0x32: {  	[sflag:s9] =	ssyncset.done $0x0  }
0x33: {  	[sflag:s9] =	ssyncadd.s32 $0xFFFFFF80  }
0x34: {  	[spmem:s2] =	stream.indirect.scatter.add.f32 [tilespmem:s10], [sflag:$0x1], $0x10, s3, s10, $0xb8;
	[tilespmem:$0x5880] =	vst v63  }
0x35: {  	_ =	swait.ge [sflag:s9], $0x800  }
0x36: {  	s13 =	sadd.s32 $0x1, s13;
	[sflag:s9] =	ssyncset.done $0x0  }
0x37: {  	p0 =	sne.s32 s13, s5;
	[sflag:s9] =	ssyncadd.s32 $0xFFFFF800  }
.Ltmp3:
0x38: {  	[bflag:$0x0] =	sbarrier.arrive $0xFFFF;
	(pc) =	sbr.rel @p0 .LBB2_1-.Ltmp3, $4  }
0x39: {  	[hbm:s6], [sflag:s11] =	dma.local [spmem:s12], $0x500  }
0x3a: {  	_ =	swait.ge [sflag:s9], $0x500  }
0x3b: {  	[sflag:s9] =	ssyncset.done $0x0  }
0x3c: {  	[sflag:s9] =	ssyncadd.s32 $0xFFFFFB00  }
0x3d: {  	_ =	sfence.sel $0x180000  }
0x3e: {  	[bflag:$0x0] =	sbarrier.arrive $0xFFFF  }
0x3f: {  	p0 =	sne.s32 s1, $0x0;
	_ =	strace $0x90000047  }
0x40: {  	s0 =	sadd.s32 @!p0 $0x100000, s0;
	[bflag:$0x2] =	sbarrier.arrive $0xFFFF  }
0x41: {  	[sflag:s0] =	ssyncadd.tile.s32 @!p0 $0x1;
	_ =	shalt  }
.Lfunc_end2:
_tile_overlayer_lowered:
.L_overlay_start_2:
0x42: {  	(tag) =	ssettag $0x2  }
0x43: {  	s0 =	rddreg [dreg:$0x0];
	s2 =	stileid.u32  }
0x44: {  	s1 =	rddreg [dreg:$0x1];
	p0 =	sne.s32 s2, $0x0  }
0x45: {  	s3 =	rddreg [dreg:$0x2];
	[bflag:$0x3] =	sbarrier.arrive $0xFFFF;
	s2 =	simm.s32 @!p0 $0x1C01  }
0x46: {  	[timem:s3], [sflag:s2] =	dma.local @!p0 [hbm:s0], s1  }
0x47: {  	s0 =	simm.s32 @!p0 $0x1  }
0x48: {  	_ =	swait.ge @!p0 [sflag:s0], s1  }
0x49: {  	s1 =	ssub.s32 @!p0 $0x0, s1;
	[sflag:s0] =	ssyncset.done @!p0 $0x0  }
0x4a: {  	[sflag:s0] =	ssyncadd.s32 @!p0 s1  }
0x4b: {  	[bflag:$0x3] =	sbarrier.arrive $0xFFFF  }
0x4c: {  	_ =	shalt  }

// kernel: kernel.13.cloned.1.call-start
scs
__scs_entry_jumppad:
0x0: {  	(pc) =	sbr.rel $0x88, $3  }
0x1: {  	(tag) =	ssettag $0x0;
	lr =	simm.s32 $0x1  }
0x2: {  	[smem:$0x3F97] =	sst lr;
	_ =	strace $0xD0000000  }
0x3: {  	_ = 	snop  }
0x4: {  	_ = 	snop  }
0x5: {  	_ = 	snop  }
0x6: {  	_ = 	snop  }
0x7: {  	_ = 	snop  }
__scs_overlays_trampoline_lowered:
0x8: {  	[smem:$0x3FA6] =	sst s0  }
0x9: {  	[smem:$0x3FA7] =	sst s1  }
0xa: {  	[smem:$0x3FA8] =	sst s2  }
0xb: {  	[smem:$0x3FA9] =	sst s3  }
0xc: {  	[smem:$0x3FAA] =	sst s4  }
0xd: {  	[smem:$0x3FAB] =	sst s5  }
0xe: {  	[smem:$0x3FAC] =	sst s6  }
0xf: {  	[smem:$0x3FAD] =	sst s7  }
0x10: {  	[smem:$0x3FAE] =	sst s8  }
0x11: {  	[smem:$0x3FAF] =	sst s9;
	s0 =	simm.s32 @!p0 $0x0  }
0x12: {  	s1 =	sld [smem:$0x3F95];
	s0 =	simm.s32 @p0 $0x1  }
0x13: {  	[smem:$0x3FB0] =	sst s0;
	s0 =	simm.s32 @!p1 $0x0  }
0x14: {  	s2 =	sld [smem:$0x3F94];
	s0 =	simm.s32 @p1 $0x1  }
0x15: {  	[smem:$0x3FB1] =	sst s0;
	s0 =	simm.s32 @!p2 $0x0  }
0x16: {  	s3 =	sld [smem:$0x3FDB];
	s0 =	simm.s32 @p2 $0x1  }
0x17: {  	s4 =	simm.s32 $0x1BF5;
	[smem:$0x3FB3] =	sst s0  }
0x18: {  	s0 =	sld [smem:$0x3F96];
	_ =	swait.ge [sflag:s4], $0x0  }
0x19: {  	s7 =	sld [smem:$0x3F97]  }
0x1a: {  	s8 =	sadd.s32 $0xFFFFE003, lr  }
0x1b: {  	s9 =	sadd.s32 $0xFFFFFEF7, lr;
	s5 =	simm.s32 $0xFFFFFFFF;
	p2 =	slt.u32 s8, $0xFFFFF086  }
0x1c: {  	p1 =	slt.u32 s9, $0xF7A;
	s5 =	simm.s32 @!p2 $0x0  }
0x1d: {  	s5 =	simm.s32 @p1 $0x1;
	p0 =	seq.s32 s7, s2  }
0x1e: {  	s7 =	smul.u32 @!p0 $0xF7A, s2;
	p2 =	seq.s32 @!p0 s5, $0x0  }
0x1f: {  	s9 =	smul.u32 $0xF7A, s1;
	s8 =	simm.s32 @!p0 $0x1BF5;
	p2 =	por !p2, p0  }
0x20: {  	[sflag:s8] =	ssyncset.s32 @!p0 $0xFFFFF086;
	s6 =	sadd.s32 @!p0 s3, s7;
	s7 =	simm.s32 @!p0 $0x108  }
0x21: {  	s3 =	sadd.s32 s3, s9;
	s6 =	sadd.s32 @!p0 $0x88, s6;
	s7 =	simm.s32 @p2 $0x1082  }
0x22: {  	[simem:s7], [sflag:s8] =	dma.local @!p0 [hbm:s6], $0xF7A  }
0x23: {  	s9 =	sor.u32 $0xD0000000, s2;
	s6 =	simm.s32 $0x108;
	_ =	swait.ge @!p0 [sflag:s8], $0x0  }
0x24: {  	s3 =	sadd.s32 $0x88, s3;
	s6 =	simm.s32 @!p1 $0x1082;
	[sflag:s4] =	ssyncset.s32 $0xFFFFF086  }
0x25: {  	[simem:s6], [sflag:s4] =	dma.local [hbm:s3], $0xF7A  }
0x26: {  	[smem:$0x3F97] =	sst s1;
	(tag) =	ssettag s2;
	_ =	strace s9  }
0x27: {  	s1 =	sld [smem:$0x3FA7]  }
0x28: {  	s2 =	sld [smem:$0x3FA8]  }
0x29: {  	s4 =	sld [smem:$0x3FAA]  }
0x2a: {  	p0 =	seq.s32 s5, $0x0;
	s5 =	sld [smem:$0x3FAB]  }
0x2b: {  	s6 =	sld [smem:$0x3FAC]  }
0x2c: {  	s7 =	sld [smem:$0x3FAD]  }
0x2d: {  	s3 =	simm.s32 $0x108;
	s8 =	sld [smem:$0x3FAE]  }
0x2e: {  	s3 =	simm.s32 @!p0 $0x1082;
	s9 =	sld [smem:$0x3FAF]  }
0x2f: {  	lr =	sadd.s32 s0, s3;
	s0 =	sld [smem:$0x3FA6]  }
0x30: {  	s3 =	sld [smem:$0x3FA9]  }
0x31: {  	[smem:$0x3FB2] =	sst s10  }
0x32: {  	s10 =	sld [smem:$0x3FB0];
	_ =	sdelay $0x3  }
0x33: {  	p0 =	seq.s32 s10, $0x1;
	s10 =	sld [smem:$0x3FB2];
	_ =	sdelay $0x3  }
0x34: {  	[smem:$0x3FB2] =	sst s10  }
0x35: {  	s10 =	sld [smem:$0x3FB1];
	_ =	sdelay $0x3  }
0x36: {  	p1 =	seq.s32 s10, $0x1;
	s10 =	sld [smem:$0x3FB2];
	_ =	sdelay $0x3  }
0x37: {  	[smem:$0x3FB2] =	sst s10  }
0x38: {  	s10 =	sld [smem:$0x3FB3]  }
0x39: {  	_ = 	snop;
	(pc) =	sbr.ind lr, $3  }
0x3a: {  	_ = 	snop  }
0x3b: {  	_ = 	snop  }
0x3c: {  	p2 =	seq.s32 s10, $0x1;
	s10 =	sld [smem:$0x3FB2]  }
0x3d: {  	_ =	shalt  }
0x3e: {  	_ =	shalt  }
0x3f: {  	_ =	shalt  }
0x40: {  	_ =	shalt  }
0x41: {  	_ =	shalt  }
0x42: {  	_ =	shalt  }
0x43: {  	_ =	shalt  }
0x44: {  	_ =	shalt  }
0x45: {  	_ =	shalt  }
0x46: {  	_ =	shalt  }
0x47: {  	_ =	shalt  }
0x48: {  	_ =	shalt  }
0x49: {  	_ =	shalt  }
0x4a: {  	_ =	shalt  }
0x4b: {  	_ =	shalt  }
0x4c: {  	_ =	shalt  }
0x4d: {  	_ =	shalt  }
0x4e: {  	_ =	shalt  }
0x4f: {  	_ =	shalt  }
0x50: {  	_ =	shalt  }
0x51: {  	_ =	shalt  }
0x52: {  	_ =	shalt  }
0x53: {  	_ =	shalt  }
0x54: {  	_ =	shalt  }
0x55: {  	_ =	shalt  }
0x56: {  	_ =	shalt  }
0x57: {  	_ =	shalt  }
0x58: {  	_ =	shalt  }
0x59: {  	_ =	shalt  }
0x5a: {  	_ =	shalt  }
0x5b: {  	_ =	shalt  }
0x5c: {  	_ =	shalt  }
0x5d: {  	_ =	shalt  }
0x5e: {  	_ =	shalt  }
0x5f: {  	_ =	shalt  }
0x60: {  	_ =	shalt  }
0x61: {  	_ =	shalt  }
0x62: {  	_ =	shalt  }
0x63: {  	_ =	shalt  }
0x64: {  	_ =	shalt  }
0x65: {  	_ =	shalt  }
0x66: {  	_ =	shalt  }
0x67: {  	_ =	shalt  }
0x68: {  	_ =	shalt  }
0x69: {  	_ =	shalt  }
0x6a: {  	_ =	shalt  }
0x6b: {  	_ =	shalt  }
0x6c: {  	_ =	shalt  }
0x6d: {  	_ =	shalt  }
0x6e: {  	_ =	shalt  }
0x6f: {  	_ =	shalt  }
0x70: {  	_ =	shalt  }
0x71: {  	_ =	shalt  }
0x72: {  	_ =	shalt  }
0x73: {  	_ =	shalt  }
0x74: {  	_ =	shalt  }
0x75: {  	_ =	shalt  }
0x76: {  	_ =	shalt  }
0x77: {  	_ =	shalt  }
0x78: {  	_ =	shalt  }
0x79: {  	_ =	shalt  }
0x7a: {  	_ =	shalt  }
0x7b: {  	_ =	shalt  }
0x7c: {  	_ =	shalt  }
0x7d: {  	_ =	shalt  }
0x7e: {  	_ =	shalt  }
0x7f: {  	_ =	shalt  }
0x80: {  	_ =	shalt  }
0x81: {  	_ =	shalt  }
0x82: {  	_ =	shalt  }
0x83: {  	_ =	shalt  }
0x84: {  	_ =	shalt  }
0x85: {  	_ =	shalt  }
0x86: {  	_ =	shalt  }
0x87: {  	_ =	shalt  }
.Lfunc_end0:
.L_simem_size_0:
called_computation.1_lowered:
.L_overlay_start_0:
0x88: {  	s2 =	sld [smem:$0x3FD9]  }
0x89: {  	s3 =	sld [smem:$0x3FFE];
	_ =	sdelay $0x1  }
0x8a: {  	s1 =	srdreg.scid  }
0x8b: {  	s0 =	sand.u32 $0x1, s1  }
0x8c: {  	s16 =	sshll.u32 s0, $0xA;
	s2 =	sadd.s32 s3, s2  }
0x8d: {  	s2 =	sadd.s32 s2, s16  }
0x8e: {  	[smem:$0x3FBE] =	sst s2  }
0x8f: {  	_ = 	snop  }
0x90: {  	(tm) =	ssettm $0x1  }
0x91: {  	s17 =	sld [smem:$0x3FFB];
	_ =	sdelay $0x3  }
0x92: {  	_ =	strace s17  }
0x93: {  	s2 =	sld [smem:$0x3FFC];
	_ =	sdelay $0x3  }
0x94: {  	_ =	strace s2  }
0x95: {  	s2 =	sld [smem:$0x3FFD];
	_ =	sdelay $0x3  }
0x96: {  	_ =	strace s2  }
0x97: {  	_ =	strace $0x8FFFFFFF  }
0x98: {  	s18 =	sld [smem:$0x3FDB];
	_ =	sdelay $0x1  }
0x99: {  	s19 =	simm.s32 $_scs_section_size  }
0x9a: {  	s4 =	simm.s32 $_size__tile_overlayer_lowered;
	s5 =	simm.s32 $_tile_overlayer_lowered  }
0x9b: {  	s22 =	simm.s32 $0x1BFF;
	s21 =	sshll.u32 s5, $0x1;
	s2 =	sadd.s32 s19, s18  }
0x9c: {  	s6 =	simm.s32 $0x0;
	s20 =	sshll.u32 s4, $0x1;
	s4 =	sadd.s32 s21, s2  }
0x9d: {  	[timem:s6], [sflag:s22] =	dma.local [hbm:s4], s20  }
0x9e: {  	_ =	swait.ge [sflag:s22], s20  }
0x9f: {  	s3 =	ssub.s32 $0x0, s20;
	[sflag:s22] =	ssyncset.done $0x0  }
0xa0: {  	[sflag:s22] =	ssyncadd.s32 s3;
	_ =	sdelay $0x1  }
0xa1: {  	s23 =	simm.s32 $0x1B8B  }
0xa2: {  	_ =	swait.ge [sflag:s23], $0x1  }
0xa3: {  	[sflag:s23] =	ssyncset.done $0x0  }
0xa4: {  	s25 =	simm.s32 $0x1B8E;
	s24 =	sld [smem:$0x3FFE];
	[sflag:s23] =	ssyncadd.s32 $0xFFFFFFFF  }
0xa5: {  	s26 =	simm.s32 $execute0_lowered;
	[smem:$0x3FD2] =	sst s25  }
0xa6: {  	s4 =	sshll.u32 s26, $0x1;
	_ =	strace $0x80000049;
	[dreg:$0x1] =	wrdreg $0xFFFFFFFF  }
0xa7: {  	s28 =	simm.s32 $_size_execute0_lowered;
	s2 =	sadd.s32 s2, s4;
	[dreg:$0x0] =	wrdreg $0x0  }
0xa8: {  	s4 =	sshll.u32 s28, $0x1;
	[dreg:$0x2] =	wrdreg s2  }
0xa9: {  	[dreg:$0x3] =	wrdreg s4  }
0xaa: {  	[dreg:$0x4] =	wrdreg $0xC0  }
0xab: {  	_ =	task [dreg:s6], $0x5FFFF  }
0xac: {  	[dreg:$0x1] =	wrdreg $0xFFFFFFFF  }
0xad: {  	[dreg:$0x0] =	wrdreg $0x60  }
0xae: {  	[dreg:$0x2] =	wrdreg s24  }
0xaf: {  	[dreg:$0x3] =	wrdreg $0xC1000  }
0xb0: {  	[dreg:$0x4] =	wrdreg $0x9  }
0xb1: {  	_ =	task.clear_ibuf [dreg:s6], $0x5FFFF;
	_ =	strace $0x90000049  }
0xb2: {  	s29 =	simm.s32 $0x9;
	_ =	strace $0x8000004B  }
0xb3: {  	_ =	swait.ge [sflag:s29], $0x1  }
0xb4: {  	[sflag:s29] =	ssyncadd.s32 $0xFFFFFFFF  }
0xb5: {  	_ =	strace $0x9000004B  }
0xb6: {  	_ =	sfence  }
0xb7: {  	s30 =	sld [smem:$0x0];
	_ =	sdelay $0x2  }
0xb8: {  	s31 =	sshll.u32 s1, $0xD;
	s1 =	sshrl.u32 s1, $0x2  }
0xb9: {  	s3 =	sand.u32 $0x4000, s31;
	s1 =	sadd.s32 s1, s30  }
0xba: {  	s0 =	sor.u32 s3, s0;
	s1 =	sshll.u32 s1, $0x11  }
0xbb: {  	s0 =	sor.u32 s1, s0  }
0xbc: {  	s0 =	sadd.s32 $0x8F2B, s0  }
0xbd: {  	[sflag:s0] =	ssyncadd.remote.s32 $0x1  }
0xbe: {  	_ =	sfence.sel $0xFFFF  }
0xbf: {  	[dreg:$0x0] =	wrdreg $0xFFFFFFFF;
	(pc) =	sbr.abs _section_cstart, $3  }
0xc0: {  	[dreg:$0x1] =	wrdreg $0xFFFFFFFF  }
0xc1: {  	_ =	task.clear_ibuf [dreg:s6], $0x2FFFF;
	_ =	strace $0x9FFFFFFF  }
0xc2: {  	(tm) =	ssettm $0x7FFFFFFF  }
0xc3: {  	_ =	shalt  }
tec
execute0_lowered:
.L_overlay_start_1:
0x0: {  	(tag) =	ssettag $0x1  }
0x1: {  	s7 =	rddreg [dreg:$0x0]  }
0x2: {  	s2 =	rddreg [dreg:$0x1]  }
0x3: {  	s0 =	rddreg [dreg:$0x2];
	s4 =	srdreg.scid  }
0x4: {  	s3 =	simm.s32 $0x0;
	s1 =	stileid.u32;
	s12 =	simm.s32 $0x80  }
0x5: {  	s13 =	simm.s32 $0x100;
	s14 =	simm.s32 $0x1;
	s17 =	simm.s32 $0x0  }
0x6: {  	s5 =	sand.u32 $0x1, s4;
	[smem:$0x7FF] =	sst s3;
	s6 =	smul.u32 $0x9E0, s1  }
0x7: {  	s4 =	sadd.s32 $0x9A000, s7;
	s30 =	smul.u32 $0xA000, s1;
	s15 =	sshll.u32 s1, $0x6  }
0x8: {  	s8 =	ssub.s32 $0x2, s5;
	_ =	strace $0x8000004A;
	p0 =	seq.s32 s5, $0x1  }
0x9: {  	s11 =	smul.u32 $0x4F0, s5;
	s15 =	sor.u32 $0x1C02, s15;
	s9 =	sshrl.u32 s8, $0x1  }
0xa: {  	s10 =	sadd.s32 s6, s7;
	s5 =	sadd.s32 s30, s2;
	s29 =	ssub.s32 s8, s9  }
0xb: {  	s9 =	simm.s32 $0xAE000;
	s8 =	sshrl.u32 s30, $0x3;
	s31 =	sadd.s32 s11, s10  }
0xc: {  	s10 =	simm.s32 $0x2100;
	s11 =	simm.s32 $0x2;
	s9 =	simm.s32 @!p0 $0xC2000  }
0xd: {  	s16 =	sshrl.u32 s5, $0x3;
	s6 =	smax.u32 s29, $0x1;
	s7 =	sadd.s32 s9, s7  }
0xe: {  	v0 =	vimm.f32 $0.0e+00;
	s9 =	sadd.s32 $0x18200, s31;
	s7 =	sadd.s32 s7, s8;
	s8 =	sadd.s32 $0x4400, s31  }
.LBB2_1:
0xf: {  	s19 =	simm.s32 $0x100;
	s18 =	simm.s32 $0x0  }
.LBB2_2:
0x10: {  	p0 =	sne.s32 s19, $0x27F00;
	[tilespmem:s18+$0x2130] =	vst v0;
	s20 =	smov.u32 s19;
	s19 =	sadd.s32 $0x100, s19  }
.Ltmp0:
0x11: {  	[tilespmem:s18+$0x2120] =	vst v0;
	(pc) =	sbr.rel @p0 .LBB2_2-.Ltmp0, $3  }
0x12: {  	[tilespmem:s18+$0x2100] =	vst v0  }
0x13: {  	[tilespmem:s18+$0x2110] =	vst v0;
	_ =	sdelay $0x1  }
0x14: {  	s18 =	sshra.s32 s20, $0x2  }
0x15: {  	[tilespmem:s18+$0x2130] =	vst v0  }
0x16: {  	[tilespmem:s18+$0x2120] =	vst v0  }
0x17: {  	[tilespmem:s18+$0x2100] =	vst v0  }
0x18: {  	[tilespmem:s18+$0x2110] =	vst v0  }
0x19: {  	[spmem:s5] =	stream.linear.scatter [tilespmem:s10], [sflag:$0x2], $0xA000, $0x38;
	[tilespmem:$0x16100] =	vst v63  }
0x1a: {  	_ =	swait.ge [sflag:s11], $0xA000  }
0x1b: {  	[sflag:s11] =	ssyncset.done $0x0  }
0x1c: {  	[sflag:s11] =	ssyncadd.s32 $0xFFFF6000  }
0x1d: {  	s30 =	sadd.s32 $0x0, s9;
	[bflag:$0x0] =	sbarrier.arrive $0xFFFF  }
0x1e: {  	[tilespmem:s3], [sflag:$0x2] =	stream.linear.gather [hbm4b:s30+s3], $0x80, $0x38;
	[tilespmem:$0x16100] =	vst v63  }
0x1f: {  	_ =	swait.ge [sflag:s11], $0x80  }
0x20: {  	[sflag:s11] =	ssyncset.done $0x0  }
0x21: {  	s31 =	sadd.s32 $0x0, s8;
	[sflag:s11] =	ssyncadd.s32 $0xFFFFFF80  }
0x22: {  	[tilespmem:s12], [sflag:$0x2] =	stream.linear.gather [hbm4b:s31+s3], $0x80, $0x38;
	[tilespmem:$0x16100] =	vst v63  }
0x23: {  	_ =	swait.ge [sflag:s11], $0x80  }
0x24: {  	[sflag:s11] =	ssyncset.done $0x0  }
0x25: {  	[sflag:s11] =	ssyncadd.s32 $0xFFFFFF80  }
0x26: {  	[tilespmem:s13], [sflag:$0x1] =	stream.indirect.gather [hbm4b:s4+s12], $0x40, s3, s12, $0xb8;
	[tilespmem:$0x16100] =	vst v63  }
0x27: {  	_ =	swait.ge [sflag:s14], $0x2000  }
0x28: {  	[sflag:s14] =	ssyncset.done $0x0  }
0x29: {  	[sflag:s14] =	ssyncadd.s32 $0xFFFFE000  }
0x2a: {  	[spmem:s2] =	stream.indirect.scatter.add.f32 [tilespmem:s13], [sflag:$0x2], $0x40, s12, s12, $0xb8;
	[tilespmem:$0x16100] =	vst v63  }
0x2b: {  	_ =	swait.ge [sflag:s11], $0x2000  }
0x2c: {  	s18 =	simm.s32 $0x10;
	s19 =	simm.s32 $0x20;
	[sflag:s11] =	ssyncset.done $0x0  }
.LBB2_4:
0x2d: {  	s20 =	sadd.s32 s18, s9  }
0x2e: {  	[sflag:s11] =	ssyncadd.s32 $0xFFFFE000;
	s21 =	smov.u32 s19;
	s22 =	sadd.s32 $0x10, s19  }
0x2f: {  	[tilespmem:s3], [sflag:$0x2] =	stream.linear.gather [hbm4b:s20+s3], $0x80, $0x38;
	[tilespmem:$0x16100] =	vst v63  }
0x30: {  	p0 =	sne.s32 s19, $0x4E0;
	_ =	swait.ge [sflag:s11], $0x80  }
0x31: {  	[sflag:s11] =	ssyncset.done $0x0  }
0x32: {  	s19 =	sadd.s32 s18, s8;
	s18 =	smov.u32 s21;
	[sflag:s11] =	ssyncadd.s32 $0xFFFFFF80  }
0x33: {  	[tilespmem:s12], [sflag:$0x2] =	stream.linear.gather [hbm4b:s19+s3], $0x80, $0x38;
	[tilespmem:$0x16100] =	vst v63  }
0x34: {  	_ =	swait.ge [sflag:s11], $0x80  }
0x35: {  	[sflag:s11] =	ssyncset.done $0x0  }
0x36: {  	[sflag:s11] =	ssyncadd.s32 $0xFFFFFF80  }
0x37: {  	[tilespmem:s13], [sflag:$0x1] =	stream.indirect.gather [hbm4b:s4+s12], $0x40, s3, s12, $0xb8;
	[tilespmem:$0x16100] =	vst v63  }
0x38: {  	_ =	swait.ge [sflag:s14], $0x2000  }
.Ltmp1:
0x39: {  	[sflag:s14] =	ssyncset.done $0x0;
	(pc) =	sbr.rel @p0 .LBB2_4-.Ltmp1, $4  }
0x3a: {  	[sflag:s14] =	ssyncadd.s32 $0xFFFFE000  }
0x3b: {  	[spmem:s2] =	stream.indirect.scatter.add.f32 [tilespmem:s13], [sflag:$0x2], $0x40, s12, s12, $0xb8;
	[tilespmem:$0x16100] =	vst v63  }
0x3c: {  	_ =	swait.ge [sflag:s11], $0x2000  }
0x3d: {  	s19 =	smov.u32 s22;
	[sflag:s11] =	ssyncset.done $0x0  }
0x3e: {  	s19 =	sadd.s32 s18, s9;
	[sflag:s11] =	ssyncadd.s32 $0xFFFFE000  }
0x3f: {  	[tilespmem:s3], [sflag:$0x2] =	stream.linear.gather [hbm4b:s19+s3], $0x80, $0x38;
	[tilespmem:$0x16100] =	vst v63  }
0x40: {  	_ =	swait.ge [sflag:s11], $0x80  }
0x41: {  	[sflag:s11] =	ssyncset.done $0x0  }
0x42: {  	s31 =	sadd.s32 s18, s8;
	[sflag:s11] =	ssyncadd.s32 $0xFFFFFF80  }
0x43: {  	[tilespmem:s12], [sflag:$0x2] =	stream.linear.gather [hbm4b:s31+s3], $0x80, $0x38;
	[tilespmem:$0x16100] =	vst v63  }
0x44: {  	_ =	swait.ge [sflag:s11], $0x80  }
0x45: {  	[sflag:s11] =	ssyncset.done $0x0  }
0x46: {  	[sflag:s11] =	ssyncadd.s32 $0xFFFFFF80  }
0x47: {  	[tilespmem:s13], [sflag:$0x1] =	stream.indirect.gather [hbm4b:s4+s12], $0x40, s3, s12, $0xb8;
	[tilespmem:$0x16100] =	vst v63  }
0x48: {  	_ =	swait.ge [sflag:s14], $0x2000  }
0x49: {  	[sflag:s14] =	ssyncset.done $0x0  }
0x4a: {  	[sflag:s14] =	ssyncadd.s32 $0xFFFFE000  }
0x4b: {  	[spmem:s2] =	stream.indirect.scatter.add.f32 [tilespmem:s13], [sflag:$0x2], $0x40, s12, s12, $0xb8;
	[tilespmem:$0x16100] =	vst v63  }
0x4c: {  	_ =	swait.ge [sflag:s11], $0x2000  }
0x4d: {  	s17 =	sadd.s32 $0x1, s17;
	[sflag:s11] =	ssyncset.done $0x0  }
0x4e: {  	p0 =	sne.s32 s17, s6;
	[sflag:s11] =	ssyncadd.s32 $0xFFFFE000  }
.Ltmp2:
0x4f: {  	[bflag:$0x0] =	sbarrier.arrive $0xFFFF;
	(pc) =	sbr.rel @p0 .LBB2_1-.Ltmp2, $4  }
0x50: {  	[hbm:s7], [sflag:s15] =	dma.local [spmem:s16], $0x1400  }
0x51: {  	_ =	swait.ge [sflag:s11], $0x1400  }
0x52: {  	[sflag:s11] =	ssyncset.done $0x0  }
0x53: {  	[sflag:s11] =	ssyncadd.s32 $0xFFFFEC00  }
0x54: {  	_ =	sfence.sel $0x180000  }
0x55: {  	[bflag:$0x0] =	sbarrier.arrive $0xFFFF  }
0x56: {  	p0 =	sne.s32 s1, $0x0;
	_ =	strace $0x9000004A  }
0x57: {  	s0 =	sadd.s32 @!p0 $0x100000, s0;
	[bflag:$0x2] =	sbarrier.arrive $0xFFFF  }
0x58: {  	[sflag:s0] =	ssyncadd.tile.s32 @!p0 $0x1;
	_ =	shalt  }
.Lfunc_end2:
_tile_overlayer_lowered:
.L_overlay_start_2:
0x59: {  	(tag) =	ssettag $0x2  }
0x5a: {  	s0 =	rddreg [dreg:$0x0];
	s2 =	stileid.u32  }
0x5b: {  	s1 =	rddreg [dreg:$0x1];
	p0 =	sne.s32 s2, $0x0  }
0x5c: {  	s3 =	rddreg [dreg:$0x2];
	[bflag:$0x3] =	sbarrier.arrive $0xFFFF;
	s2 =	simm.s32 @!p0 $0x1C02  }
0x5d: {  	[timem:s3], [sflag:s2] =	dma.local @!p0 [hbm:s0], s1  }
0x5e: {  	s0 =	simm.s32 @!p0 $0x2  }
0x5f: {  	_ =	swait.ge @!p0 [sflag:s0], s1  }
0x60: {  	s1 =	ssub.s32 @!p0 $0x0, s1;
	[sflag:s0] =	ssyncset.done @!p0 $0x0  }
0x61: {  	[sflag:s0] =	ssyncadd.s32 @!p0 s1  }
0x62: {  	[bflag:$0x3] =	sbarrier.arrive $0xFFFF  }
0x63: {  	_ =	shalt  }

// kernel: kernel.16.cloned.1.call-start
scs
__scs_entry_jumppad:
0x0: {  	(pc) =	sbr.rel $0x88, $3  }
0x1: {  	(tag) =	ssettag $0x0;
	lr =	simm.s32 $0x1  }
0x2: {  	[smem:$0x3F97] =	sst lr;
	_ =	strace $0xD0000000  }
0x3: {  	_ = 	snop  }
0x4: {  	_ = 	snop  }
0x5: {  	_ = 	snop  }
0x6: {  	_ = 	snop  }
0x7: {  	_ = 	snop  }
__scs_overlays_trampoline_lowered:
0x8: {  	[smem:$0x3FA6] =	sst s0  }
0x9: {  	[smem:$0x3FA7] =	sst s1  }
0xa: {  	[smem:$0x3FA8] =	sst s2  }
0xb: {  	[smem:$0x3FA9] =	sst s3  }
0xc: {  	[smem:$0x3FAA] =	sst s4  }
0xd: {  	[smem:$0x3FAB] =	sst s5  }
0xe: {  	[smem:$0x3FAC] =	sst s6  }
0xf: {  	[smem:$0x3FAD] =	sst s7  }
0x10: {  	[smem:$0x3FAE] =	sst s8  }
0x11: {  	[smem:$0x3FAF] =	sst s9;
	s0 =	simm.s32 @!p0 $0x0  }
0x12: {  	s1 =	sld [smem:$0x3F95];
	s0 =	simm.s32 @p0 $0x1  }
0x13: {  	[smem:$0x3FB0] =	sst s0;
	s0 =	simm.s32 @!p1 $0x0  }
0x14: {  	s2 =	sld [smem:$0x3F94];
	s0 =	simm.s32 @p1 $0x1  }
0x15: {  	[smem:$0x3FB1] =	sst s0;
	s0 =	simm.s32 @!p2 $0x0  }
0x16: {  	s3 =	sld [smem:$0x3FDB];
	s0 =	simm.s32 @p2 $0x1  }
0x17: {  	s4 =	simm.s32 $0x1BF5;
	[smem:$0x3FB3] =	sst s0  }
0x18: {  	s0 =	sld [smem:$0x3F96];
	_ =	swait.ge [sflag:s4], $0x0  }
0x19: {  	s7 =	sld [smem:$0x3F97]  }
0x1a: {  	s8 =	sadd.s32 $0xFFFFE003, lr  }
0x1b: {  	s9 =	sadd.s32 $0xFFFFFEF7, lr;
	s5 =	simm.s32 $0xFFFFFFFF;
	p2 =	slt.u32 s8, $0xFFFFF086  }
0x1c: {  	p1 =	slt.u32 s9, $0xF7A;
	s5 =	simm.s32 @!p2 $0x0  }
0x1d: {  	s5 =	simm.s32 @p1 $0x1;
	p0 =	seq.s32 s7, s2  }
0x1e: {  	s7 =	smul.u32 @!p0 $0xF7A, s2;
	p2 =	seq.s32 @!p0 s5, $0x0  }
0x1f: {  	s9 =	smul.u32 $0xF7A, s1;
	s8 =	simm.s32 @!p0 $0x1BF5;
	p2 =	por !p2, p0  }
0x20: {  	[sflag:s8] =	ssyncset.s32 @!p0 $0xFFFFF086;
	s6 =	sadd.s32 @!p0 s3, s7;
	s7 =	simm.s32 @!p0 $0x108  }
0x21: {  	s3 =	sadd.s32 s3, s9;
	s6 =	sadd.s32 @!p0 $0x88, s6;
	s7 =	simm.s32 @p2 $0x1082  }
0x22: {  	[simem:s7], [sflag:s8] =	dma.local @!p0 [hbm:s6], $0xF7A  }
0x23: {  	s9 =	sor.u32 $0xD0000000, s2;
	s6 =	simm.s32 $0x108;
	_ =	swait.ge @!p0 [sflag:s8], $0x0  }
0x24: {  	s3 =	sadd.s32 $0x88, s3;
	s6 =	simm.s32 @!p1 $0x1082;
	[sflag:s4] =	ssyncset.s32 $0xFFFFF086  }
0x25: {  	[simem:s6], [sflag:s4] =	dma.local [hbm:s3], $0xF7A  }
0x26: {  	[smem:$0x3F97] =	sst s1;
	(tag) =	ssettag s2;
	_ =	strace s9  }
0x27: {  	s1 =	sld [smem:$0x3FA7]  }
0x28: {  	s2 =	sld [smem:$0x3FA8]  }
0x29: {  	s4 =	sld [smem:$0x3FAA]  }
0x2a: {  	p0 =	seq.s32 s5, $0x0;
	s5 =	sld [smem:$0x3FAB]  }
0x2b: {  	s6 =	sld [smem:$0x3FAC]  }
0x2c: {  	s7 =	sld [smem:$0x3FAD]  }
0x2d: {  	s3 =	simm.s32 $0x108;
	s8 =	sld [smem:$0x3FAE]  }
0x2e: {  	s3 =	simm.s32 @!p0 $0x1082;
	s9 =	sld [smem:$0x3FAF]  }
0x2f: {  	lr =	sadd.s32 s0, s3;
	s0 =	sld [smem:$0x3FA6]  }
0x30: {  	s3 =	sld [smem:$0x3FA9]  }
0x31: {  	[smem:$0x3FB2] =	sst s10  }
0x32: {  	s10 =	sld [smem:$0x3FB0];
	_ =	sdelay $0x3  }
0x33: {  	p0 =	seq.s32 s10, $0x1;
	s10 =	sld [smem:$0x3FB2];
	_ =	sdelay $0x3  }
0x34: {  	[smem:$0x3FB2] =	sst s10  }
0x35: {  	s10 =	sld [smem:$0x3FB1];
	_ =	sdelay $0x3  }
0x36: {  	p1 =	seq.s32 s10, $0x1;
	s10 =	sld [smem:$0x3FB2];
	_ =	sdelay $0x3  }
0x37: {  	[smem:$0x3FB2] =	sst s10  }
0x38: {  	s10 =	sld [smem:$0x3FB3]  }
0x39: {  	_ = 	snop;
	(pc) =	sbr.ind lr, $3  }
0x3a: {  	_ = 	snop  }
0x3b: {  	_ = 	snop  }
0x3c: {  	p2 =	seq.s32 s10, $0x1;
	s10 =	sld [smem:$0x3FB2]  }
0x3d: {  	_ =	shalt  }
0x3e: {  	_ =	shalt  }
0x3f: {  	_ =	shalt  }
0x40: {  	_ =	shalt  }
0x41: {  	_ =	shalt  }
0x42: {  	_ =	shalt  }
0x43: {  	_ =	shalt  }
0x44: {  	_ =	shalt  }
0x45: {  	_ =	shalt  }
0x46: {  	_ =	shalt  }
0x47: {  	_ =	shalt  }
0x48: {  	_ =	shalt  }
0x49: {  	_ =	shalt  }
0x4a: {  	_ =	shalt  }
0x4b: {  	_ =	shalt  }
0x4c: {  	_ =	shalt  }
0x4d: {  	_ =	shalt  }
0x4e: {  	_ =	shalt  }
0x4f: {  	_ =	shalt  }
0x50: {  	_ =	shalt  }
0x51: {  	_ =	shalt  }
0x52: {  	_ =	shalt  }
0x53: {  	_ =	shalt  }
0x54: {  	_ =	shalt  }
0x55: {  	_ =	shalt  }
0x56: {  	_ =	shalt  }
0x57: {  	_ =	shalt  }
0x58: {  	_ =	shalt  }
0x59: {  	_ =	shalt  }
0x5a: {  	_ =	shalt  }
0x5b: {  	_ =	shalt  }
0x5c: {  	_ =	shalt  }
0x5d: {  	_ =	shalt  }
0x5e: {  	_ =	shalt  }
0x5f: {  	_ =	shalt  }
0x60: {  	_ =	shalt  }
0x61: {  	_ =	shalt  }
0x62: {  	_ =	shalt  }
0x63: {  	_ =	shalt  }
0x64: {  	_ =	shalt  }
0x65: {  	_ =	shalt  }
0x66: {  	_ =	shalt  }
0x67: {  	_ =	shalt  }
0x68: {  	_ =	shalt  }
0x69: {  	_ =	shalt  }
0x6a: {  	_ =	shalt  }
0x6b: {  	_ =	shalt  }
0x6c: {  	_ =	shalt  }
0x6d: {  	_ =	shalt  }
0x6e: {  	_ =	shalt  }
0x6f: {  	_ =	shalt  }
0x70: {  	_ =	shalt  }
0x71: {  	_ =	shalt  }
0x72: {  	_ =	shalt  }
0x73: {  	_ =	shalt  }
0x74: {  	_ =	shalt  }
0x75: {  	_ =	shalt  }
0x76: {  	_ =	shalt  }
0x77: {  	_ =	shalt  }
0x78: {  	_ =	shalt  }
0x79: {  	_ =	shalt  }
0x7a: {  	_ =	shalt  }
0x7b: {  	_ =	shalt  }
0x7c: {  	_ =	shalt  }
0x7d: {  	_ =	shalt  }
0x7e: {  	_ =	shalt  }
0x7f: {  	_ =	shalt  }
0x80: {  	_ =	shalt  }
0x81: {  	_ =	shalt  }
0x82: {  	_ =	shalt  }
0x83: {  	_ =	shalt  }
0x84: {  	_ =	shalt  }
0x85: {  	_ =	shalt  }
0x86: {  	_ =	shalt  }
0x87: {  	_ =	shalt  }
.Lfunc_end0:
.L_simem_size_0:
called_computation.2_lowered:
.L_overlay_start_0:
0x88: {  	s2 =	sld [smem:$0x3FD9]  }
0x89: {  	s3 =	sld [smem:$0x3FFE];
	_ =	sdelay $0x1  }
0x8a: {  	s1 =	srdreg.scid  }
0x8b: {  	s0 =	sand.u32 $0x1, s1  }
0x8c: {  	s16 =	sshll.u32 s0, $0xA;
	s2 =	sadd.s32 s3, s2  }
0x8d: {  	s2 =	sadd.s32 s2, s16  }
0x8e: {  	[smem:$0x3FBE] =	sst s2  }
0x8f: {  	_ = 	snop  }
0x90: {  	(tm) =	ssettm $0x1  }
0x91: {  	s17 =	sld [smem:$0x3FFB];
	_ =	sdelay $0x3  }
0x92: {  	_ =	strace s17  }
0x93: {  	s2 =	sld [smem:$0x3FFC];
	_ =	sdelay $0x3  }
0x94: {  	_ =	strace s2  }
0x95: {  	s2 =	sld [smem:$0x3FFD];
	_ =	sdelay $0x3  }
0x96: {  	_ =	strace s2  }
0x97: {  	_ =	strace $0x8FFFFFFF  }
0x98: {  	s18 =	sld [smem:$0x3FDB];
	_ =	sdelay $0x1  }
0x99: {  	s19 =	simm.s32 $_scs_section_size  }
0x9a: {  	s4 =	simm.s32 $_size__tile_overlayer_lowered;
	s5 =	simm.s32 $_tile_overlayer_lowered  }
0x9b: {  	s22 =	simm.s32 $0x1BFF;
	s21 =	sshll.u32 s5, $0x1;
	s2 =	sadd.s32 s19, s18  }
0x9c: {  	s6 =	simm.s32 $0x0;
	s20 =	sshll.u32 s4, $0x1;
	s4 =	sadd.s32 s21, s2  }
0x9d: {  	[timem:s6], [sflag:s22] =	dma.local [hbm:s4], s20  }
0x9e: {  	_ =	swait.ge [sflag:s22], s20  }
0x9f: {  	s3 =	ssub.s32 $0x0, s20;
	[sflag:s22] =	ssyncset.done $0x0  }
0xa0: {  	[sflag:s22] =	ssyncadd.s32 s3;
	_ =	sdelay $0x1  }
0xa1: {  	s23 =	simm.s32 $0x1B8B  }
0xa2: {  	_ =	swait.ge [sflag:s23], $0x1  }
0xa3: {  	[sflag:s23] =	ssyncset.done $0x0  }
0xa4: {  	s25 =	simm.s32 $0x1B8E;
	s24 =	sld [smem:$0x3FFE];
	[sflag:s23] =	ssyncadd.s32 $0xFFFFFFFF  }
0xa5: {  	s26 =	simm.s32 $execute0_lowered;
	[smem:$0x3FD2] =	sst s25  }
0xa6: {  	s4 =	sshll.u32 s26, $0x1;
	_ =	strace $0x8000004C;
	[dreg:$0x1] =	wrdreg $0xFFFFFFFF  }
0xa7: {  	s28 =	simm.s32 $_size_execute0_lowered;
	s2 =	sadd.s32 s2, s4;
	[dreg:$0x0] =	wrdreg $0x0  }
0xa8: {  	s4 =	sshll.u32 s28, $0x1;
	[dreg:$0x2] =	wrdreg s2  }
0xa9: {  	[dreg:$0x3] =	wrdreg s4  }
0xaa: {  	[dreg:$0x4] =	wrdreg $0xC0  }
0xab: {  	_ =	task [dreg:s6], $0x5FFFF  }
0xac: {  	[dreg:$0x1] =	wrdreg $0xFFFFFFFF  }
0xad: {  	[dreg:$0x0] =	wrdreg $0x60  }
0xae: {  	[dreg:$0x2] =	wrdreg s24  }
0xaf: {  	[dreg:$0x3] =	wrdreg $0x61000  }
0xb0: {  	[dreg:$0x4] =	wrdreg $0x9  }
0xb1: {  	_ =	task.clear_ibuf [dreg:s6], $0x5FFFF;
	_ =	strace $0x9000004C  }
0xb2: {  	s29 =	simm.s32 $0x9;
	_ =	strace $0x8000004E  }
0xb3: {  	_ =	swait.ge [sflag:s29], $0x1  }
0xb4: {  	[sflag:s29] =	ssyncadd.s32 $0xFFFFFFFF  }
0xb5: {  	_ =	strace $0x9000004E  }
0xb6: {  	_ =	sfence  }
0xb7: {  	s30 =	sld [smem:$0x0];
	_ =	sdelay $0x2  }
0xb8: {  	s31 =	sshll.u32 s1, $0xD;
	s1 =	sshrl.u32 s1, $0x2  }
0xb9: {  	s3 =	sand.u32 $0x4000, s31;
	s1 =	sadd.s32 s1, s30  }
0xba: {  	s0 =	sor.u32 s3, s0;
	s1 =	sshll.u32 s1, $0x11  }
0xbb: {  	s0 =	sor.u32 s1, s0  }
0xbc: {  	s0 =	sadd.s32 $0x8F2B, s0  }
0xbd: {  	[sflag:s0] =	ssyncadd.remote.s32 $0x1  }
0xbe: {  	_ =	sfence.sel $0xFFFF  }
0xbf: {  	[dreg:$0x0] =	wrdreg $0xFFFFFFFF;
	(pc) =	sbr.abs _section_cstart, $3  }
0xc0: {  	[dreg:$0x1] =	wrdreg $0xFFFFFFFF  }
0xc1: {  	_ =	task.clear_ibuf [dreg:s6], $0x2FFFF;
	_ =	strace $0x9FFFFFFF  }
0xc2: {  	(tm) =	ssettm $0x7FFFFFFF  }
0xc3: {  	_ =	shalt  }
tec
execute0_lowered:
.L_overlay_start_1:
0x0: {  	(tag) =	ssettag $0x1  }
0x1: {  	s7 =	rddreg [dreg:$0x0]  }
0x2: {  	s2 =	rddreg [dreg:$0x1]  }
0x3: {  	s0 =	rddreg [dreg:$0x2];
	s4 =	srdreg.scid  }
0x4: {  	s3 =	simm.s32 $0x0;
	s1 =	stileid.u32;
	s12 =	simm.s32 $0x80  }
0x5: {  	s13 =	simm.s32 $0x100;
	s14 =	simm.s32 $0x1;
	s17 =	simm.s32 $0x0  }
0x6: {  	s5 =	sand.u32 $0x1, s4;
	[smem:$0x7FF] =	sst s3;
	s6 =	smul.u32 $0x9E0, s1  }
0x7: {  	s4 =	sadd.s32 $0xE200, s7;
	s30 =	smul.u32 $0x5000, s1;
	s15 =	sshll.u32 s1, $0x6  }
0x8: {  	s8 =	ssub.s32 $0x2, s5;
	_ =	strace $0x8000004D;
	p0 =	seq.s32 s5, $0x1  }
0x9: {  	s11 =	smul.u32 $0x4F0, s5;
	s15 =	sor.u32 $0x1C02, s15;
	s9 =	sshrl.u32 s8, $0x1  }
0xa: {  	s10 =	sadd.s32 s6, s7;
	s5 =	sadd.s32 s30, s2;
	s29 =	ssub.s32 s8, s9  }
0xb: {  	s9 =	simm.s32 $0x72000;
	s8 =	sshrl.u32 s30, $0x3;
	s31 =	sadd.s32 s11, s10  }
0xc: {  	s10 =	simm.s32 $0x1100;
	s11 =	simm.s32 $0x2;
	s9 =	simm.s32 @!p0 $0x7C000  }
0xd: {  	s16 =	sshrl.u32 s5, $0x3;
	s6 =	smax.u32 s29, $0x1;
	s7 =	sadd.s32 s9, s7  }
0xe: {  	v0 =	vimm.f32 $0.0e+00;
	s9 =	sadd.s32 $0x18200, s31;
	s7 =	sadd.s32 s7, s8;
	s8 =	sadd.s32 $0x4400, s31  }
.LBB2_1:
0xf: {  	s18 =	simm.s32 $0x80;
	s19 =	simm.s32 $0x0  }
.LBB2_2:
0x10: {  	p0 =	sne.s32 s18, $0x13F80;
	[tilespmem:s19+$0x1100] =	vst v0;
	s20 =	smov.u32 s18;
	s18 =	sadd.s32 $0x80, s18  }
.Ltmp0:
0x11: {  	[tilespmem:s19+$0x1110] =	vst v0;
	(pc) =	sbr.rel @p0 .LBB2_2-.Ltmp0, $2  }
0x12: {  	_ =	sdelay $0x2  }
0x13: {  	s19 =	sshra.s32 s20, $0x2  }
0x14: {  	[tilespmem:s19+$0x1100] =	vst v0  }
0x15: {  	[tilespmem:s19+$0x1110] =	vst v0  }
0x16: {  	[spmem:s5] =	stream.linear.scatter [tilespmem:s10], [sflag:$0x2], $0x5000, $0x38;
	[tilespmem:$0xB100] =	vst v63  }
0x17: {  	_ =	swait.ge [sflag:s11], $0x5000  }
0x18: {  	[sflag:s11] =	ssyncset.done $0x0  }
0x19: {  	[sflag:s11] =	ssyncadd.s32 $0xFFFFB000  }
0x1a: {  	s18 =	sadd.s32 $0x0, s9;
	[bflag:$0x0] =	sbarrier.arrive $0xFFFF  }
0x1b: {  	[tilespmem:s3], [sflag:$0x2] =	stream.linear.gather [hbm4b:s18+s3], $0x80, $0x38;
	[tilespmem:$0xB100] =	vst v63  }
0x1c: {  	_ =	swait.ge [sflag:s11], $0x80  }
0x1d: {  	[sflag:s11] =	ssyncset.done $0x0  }
0x1e: {  	s31 =	sadd.s32 $0x0, s8;
	[sflag:s11] =	ssyncadd.s32 $0xFFFFFF80  }
0x1f: {  	[tilespmem:s12], [sflag:$0x2] =	stream.linear.gather [hbm4b:s31+s3], $0x80, $0x38;
	[tilespmem:$0xB100] =	vst v63  }
0x20: {  	_ =	swait.ge [sflag:s11], $0x80  }
0x21: {  	[sflag:s11] =	ssyncset.done $0x0  }
0x22: {  	[sflag:s11] =	ssyncadd.s32 $0xFFFFFF80  }
0x23: {  	[tilespmem:s13], [sflag:$0x1] =	stream.indirect.gather [hbm4b:s4+s12], $0x20, s3, s12, $0xb8;
	[tilespmem:$0xB100] =	vst v63  }
0x24: {  	_ =	swait.ge [sflag:s14], $0x1000  }
0x25: {  	[sflag:s14] =	ssyncset.done $0x0  }
0x26: {  	[sflag:s14] =	ssyncadd.s32 $0xFFFFF000  }
0x27: {  	[spmem:s2] =	stream.indirect.scatter.add.f32 [tilespmem:s13], [sflag:$0x2], $0x20, s12, s12, $0xb8;
	[tilespmem:$0xB100] =	vst v63  }
0x28: {  	_ =	swait.ge [sflag:s11], $0x1000  }
0x29: {  	s19 =	simm.s32 $0x20;
	s18 =	simm.s32 $0x10;
	[sflag:s11] =	ssyncset.done $0x0  }
.LBB2_4:
0x2a: {  	s20 =	sadd.s32 s18, s9  }
0x2b: {  	[sflag:s11] =	ssyncadd.s32 $0xFFFFF000;
	s21 =	smov.u32 s19;
	s22 =	sadd.s32 $0x10, s19  }
0x2c: {  	[tilespmem:s3], [sflag:$0x2] =	stream.linear.gather [hbm4b:s20+s3], $0x80, $0x38;
	[tilespmem:$0xB100] =	vst v63  }
0x2d: {  	p0 =	sne.s32 s19, $0x4E0;
	_ =	swait.ge [sflag:s11], $0x80  }
0x2e: {  	[sflag:s11] =	ssyncset.done $0x0  }
0x2f: {  	s19 =	sadd.s32 s18, s8;
	s18 =	smov.u32 s21;
	[sflag:s11] =	ssyncadd.s32 $0xFFFFFF80  }
0x30: {  	[tilespmem:s12], [sflag:$0x2] =	stream.linear.gather [hbm4b:s19+s3], $0x80, $0x38;
	[tilespmem:$0xB100] =	vst v63  }
0x31: {  	_ =	swait.ge [sflag:s11], $0x80  }
0x32: {  	[sflag:s11] =	ssyncset.done $0x0  }
0x33: {  	[sflag:s11] =	ssyncadd.s32 $0xFFFFFF80  }
0x34: {  	[tilespmem:s13], [sflag:$0x1] =	stream.indirect.gather [hbm4b:s4+s12], $0x20, s3, s12, $0xb8;
	[tilespmem:$0xB100] =	vst v63  }
0x35: {  	_ =	swait.ge [sflag:s14], $0x1000  }
.Ltmp1:
0x36: {  	[sflag:s14] =	ssyncset.done $0x0;
	(pc) =	sbr.rel @p0 .LBB2_4-.Ltmp1, $4  }
0x37: {  	[sflag:s14] =	ssyncadd.s32 $0xFFFFF000  }
0x38: {  	[spmem:s2] =	stream.indirect.scatter.add.f32 [tilespmem:s13], [sflag:$0x2], $0x20, s12, s12, $0xb8;
	[tilespmem:$0xB100] =	vst v63  }
0x39: {  	_ =	swait.ge [sflag:s11], $0x1000  }
0x3a: {  	s19 =	smov.u32 s22;
	[sflag:s11] =	ssyncset.done $0x0  }
0x3b: {  	s19 =	sadd.s32 s18, s9;
	[sflag:s11] =	ssyncadd.s32 $0xFFFFF000  }
0x3c: {  	[tilespmem:s3], [sflag:$0x2] =	stream.linear.gather [hbm4b:s19+s3], $0x80, $0x38;
	[tilespmem:$0xB100] =	vst v63  }
0x3d: {  	_ =	swait.ge [sflag:s11], $0x80  }
0x3e: {  	[sflag:s11] =	ssyncset.done $0x0  }
0x3f: {  	s31 =	sadd.s32 s18, s8;
	[sflag:s11] =	ssyncadd.s32 $0xFFFFFF80  }
0x40: {  	[tilespmem:s12], [sflag:$0x2] =	stream.linear.gather [hbm4b:s31+s3], $0x80, $0x38;
	[tilespmem:$0xB100] =	vst v63  }
0x41: {  	_ =	swait.ge [sflag:s11], $0x80  }
0x42: {  	[sflag:s11] =	ssyncset.done $0x0  }
0x43: {  	[sflag:s11] =	ssyncadd.s32 $0xFFFFFF80  }
0x44: {  	[tilespmem:s13], [sflag:$0x1] =	stream.indirect.gather [hbm4b:s4+s12], $0x20, s3, s12, $0xb8;
	[tilespmem:$0xB100] =	vst v63  }
0x45: {  	_ =	swait.ge [sflag:s14], $0x1000  }
0x46: {  	[sflag:s14] =	ssyncset.done $0x0  }
0x47: {  	[sflag:s14] =	ssyncadd.s32 $0xFFFFF000  }
0x48: {  	[spmem:s2] =	stream.indirect.scatter.add.f32 [tilespmem:s13], [sflag:$0x2], $0x20, s12, s12, $0xb8;
	[tilespmem:$0xB100] =	vst v63  }
0x49: {  	_ =	swait.ge [sflag:s11], $0x1000  }
0x4a: {  	s17 =	sadd.s32 $0x1, s17;
	[sflag:s11] =	ssyncset.done $0x0  }
0x4b: {  	p0 =	sne.s32 s17, s6;
	[sflag:s11] =	ssyncadd.s32 $0xFFFFF000  }
.Ltmp2:
0x4c: {  	[bflag:$0x0] =	sbarrier.arrive $0xFFFF;
	(pc) =	sbr.rel @p0 .LBB2_1-.Ltmp2, $4  }
0x4d: {  	[hbm:s7], [sflag:s15] =	dma.local [spmem:s16], $0xA00  }
0x4e: {  	_ =	swait.ge [sflag:s11], $0xA00  }
0x4f: {  	[sflag:s11] =	ssyncset.done $0x0  }
0x50: {  	[sflag:s11] =	ssyncadd.s32 $0xFFFFF600  }
0x51: {  	_ =	sfence.sel $0x180000  }
0x52: {  	[bflag:$0x0] =	sbarrier.arrive $0xFFFF  }
0x53: {  	p0 =	sne.s32 s1, $0x0;
	_ =	strace $0x9000004D  }
0x54: {  	s0 =	sadd.s32 @!p0 $0x100000, s0;
	[bflag:$0x2] =	sbarrier.arrive $0xFFFF  }
0x55: {  	[sflag:s0] =	ssyncadd.tile.s32 @!p0 $0x1;
	_ =	shalt  }
.Lfunc_end2:
_tile_overlayer_lowered:
.L_overlay_start_2:
0x56: {  	(tag) =	ssettag $0x2  }
0x57: {  	s0 =	rddreg [dreg:$0x0];
	s2 =	stileid.u32  }
0x58: {  	s1 =	rddreg [dreg:$0x1];
	p0 =	sne.s32 s2, $0x0  }
0x59: {  	s3 =	rddreg [dreg:$0x2];
	[bflag:$0x3] =	sbarrier.arrive $0xFFFF;
	s2 =	simm.s32 @!p0 $0x1C02  }
0x5a: {  	[timem:s3], [sflag:s2] =	dma.local @!p0 [hbm:s0], s1  }
0x5b: {  	s0 =	simm.s32 @!p0 $0x2  }
0x5c: {  	_ =	swait.ge @!p0 [sflag:s0], s1  }
0x5d: {  	s1 =	ssub.s32 @!p0 $0x0, s1;
	[sflag:s0] =	ssyncset.done @!p0 $0x0  }
0x5e: {  	[sflag:s0] =	ssyncadd.s32 @!p0 s1  }
0x5f: {  	[bflag:$0x3] =	sbarrier.arrive $0xFFFF  }
0x60: {  	_ =	shalt  }

// kernel: kernel.19.cloned.1.call-start
scs
__scs_entry_jumppad:
0x0: {  	(pc) =	sbr.rel $0x88, $3  }
0x1: {  	(tag) =	ssettag $0x0;
	lr =	simm.s32 $0x1  }
0x2: {  	[smem:$0x3F97] =	sst lr;
	_ =	strace $0xD0000000  }
0x3: {  	_ = 	snop  }
0x4: {  	_ = 	snop  }
0x5: {  	_ = 	snop  }
0x6: {  	_ = 	snop  }
0x7: {  	_ = 	snop  }
__scs_overlays_trampoline_lowered:
0x8: {  	[smem:$0x3FA6] =	sst s0  }
0x9: {  	[smem:$0x3FA7] =	sst s1  }
0xa: {  	[smem:$0x3FA8] =	sst s2  }
0xb: {  	[smem:$0x3FA9] =	sst s3  }
0xc: {  	[smem:$0x3FAA] =	sst s4  }
0xd: {  	[smem:$0x3FAB] =	sst s5  }
0xe: {  	[smem:$0x3FAC] =	sst s6  }
0xf: {  	[smem:$0x3FAD] =	sst s7  }
0x10: {  	[smem:$0x3FAE] =	sst s8  }
0x11: {  	[smem:$0x3FAF] =	sst s9;
	s0 =	simm.s32 @!p0 $0x0  }
0x12: {  	s1 =	sld [smem:$0x3F95];
	s0 =	simm.s32 @p0 $0x1  }
0x13: {  	[smem:$0x3FB0] =	sst s0;
	s0 =	simm.s32 @!p1 $0x0  }
0x14: {  	s2 =	sld [smem:$0x3F94];
	s0 =	simm.s32 @p1 $0x1  }
0x15: {  	[smem:$0x3FB1] =	sst s0;
	s0 =	simm.s32 @!p2 $0x0  }
0x16: {  	s3 =	sld [smem:$0x3FDB];
	s0 =	simm.s32 @p2 $0x1  }
0x17: {  	s4 =	simm.s32 $0x1BF5;
	[smem:$0x3FB3] =	sst s0  }
0x18: {  	s0 =	sld [smem:$0x3F96];
	_ =	swait.ge [sflag:s4], $0x0  }
0x19: {  	s7 =	sld [smem:$0x3F97]  }
0x1a: {  	s8 =	sadd.s32 $0xFFFFE003, lr  }
0x1b: {  	s9 =	sadd.s32 $0xFFFFFEF7, lr;
	s5 =	simm.s32 $0xFFFFFFFF;
	p2 =	slt.u32 s8, $0xFFFFF086  }
0x1c: {  	p1 =	slt.u32 s9, $0xF7A;
	s5 =	simm.s32 @!p2 $0x0  }
0x1d: {  	s5 =	simm.s32 @p1 $0x1;
	p0 =	seq.s32 s7, s2  }
0x1e: {  	s7 =	smul.u32 @!p0 $0xF7A, s2;
	p2 =	seq.s32 @!p0 s5, $0x0  }
0x1f: {  	s9 =	smul.u32 $0xF7A, s1;
	s8 =	simm.s32 @!p0 $0x1BF5;
	p2 =	por !p2, p0  }
0x20: {  	[sflag:s8] =	ssyncset.s32 @!p0 $0xFFFFF086;
	s6 =	sadd.s32 @!p0 s3, s7;
	s7 =	simm.s32 @!p0 $0x108  }
0x21: {  	s3 =	sadd.s32 s3, s9;
	s6 =	sadd.s32 @!p0 $0x88, s6;
	s7 =	simm.s32 @p2 $0x1082  }
0x22: {  	[simem:s7], [sflag:s8] =	dma.local @!p0 [hbm:s6], $0xF7A  }
0x23: {  	s9 =	sor.u32 $0xD0000000, s2;
	s6 =	simm.s32 $0x108;
	_ =	swait.ge @!p0 [sflag:s8], $0x0  }
0x24: {  	s3 =	sadd.s32 $0x88, s3;
	s6 =	simm.s32 @!p1 $0x1082;
	[sflag:s4] =	ssyncset.s32 $0xFFFFF086  }
0x25: {  	[simem:s6], [sflag:s4] =	dma.local [hbm:s3], $0xF7A  }
0x26: {  	[smem:$0x3F97] =	sst s1;
	(tag) =	ssettag s2;
	_ =	strace s9  }
0x27: {  	s1 =	sld [smem:$0x3FA7]  }
0x28: {  	s2 =	sld [smem:$0x3FA8]  }
0x29: {  	s4 =	sld [smem:$0x3FAA]  }
0x2a: {  	p0 =	seq.s32 s5, $0x0;
	s5 =	sld [smem:$0x3FAB]  }
0x2b: {  	s6 =	sld [smem:$0x3FAC]  }
0x2c: {  	s7 =	sld [smem:$0x3FAD]  }
0x2d: {  	s3 =	simm.s32 $0x108;
	s8 =	sld [smem:$0x3FAE]  }
0x2e: {  	s3 =	simm.s32 @!p0 $0x1082;
	s9 =	sld [smem:$0x3FAF]  }
0x2f: {  	lr =	sadd.s32 s0, s3;
	s0 =	sld [smem:$0x3FA6]  }
0x30: {  	s3 =	sld [smem:$0x3FA9]  }
0x31: {  	[smem:$0x3FB2] =	sst s10  }
0x32: {  	s10 =	sld [smem:$0x3FB0];
	_ =	sdelay $0x3  }
0x33: {  	p0 =	seq.s32 s10, $0x1;
	s10 =	sld [smem:$0x3FB2];
	_ =	sdelay $0x3  }
0x34: {  	[smem:$0x3FB2] =	sst s10  }
0x35: {  	s10 =	sld [smem:$0x3FB1];
	_ =	sdelay $0x3  }
0x36: {  	p1 =	seq.s32 s10, $0x1;
	s10 =	sld [smem:$0x3FB2];
	_ =	sdelay $0x3  }
0x37: {  	[smem:$0x3FB2] =	sst s10  }
0x38: {  	s10 =	sld [smem:$0x3FB3]  }
0x39: {  	_ = 	snop;
	(pc) =	sbr.ind lr, $3  }
0x3a: {  	_ = 	snop  }
0x3b: {  	_ = 	snop  }
0x3c: {  	p2 =	seq.s32 s10, $0x1;
	s10 =	sld [smem:$0x3FB2]  }
0x3d: {  	_ =	shalt  }
0x3e: {  	_ =	shalt  }
0x3f: {  	_ =	shalt  }
0x40: {  	_ =	shalt  }
0x41: {  	_ =	shalt  }
0x42: {  	_ =	shalt  }
0x43: {  	_ =	shalt  }
0x44: {  	_ =	shalt  }
0x45: {  	_ =	shalt  }
0x46: {  	_ =	shalt  }
0x47: {  	_ =	shalt  }
0x48: {  	_ =	shalt  }
0x49: {  	_ =	shalt  }
0x4a: {  	_ =	shalt  }
0x4b: {  	_ =	shalt  }
0x4c: {  	_ =	shalt  }
0x4d: {  	_ =	shalt  }
0x4e: {  	_ =	shalt  }
0x4f: {  	_ =	shalt  }
0x50: {  	_ =	shalt  }
0x51: {  	_ =	shalt  }
0x52: {  	_ =	shalt  }
0x53: {  	_ =	shalt  }
0x54: {  	_ =	shalt  }
0x55: {  	_ =	shalt  }
0x56: {  	_ =	shalt  }
0x57: {  	_ =	shalt  }
0x58: {  	_ =	shalt  }
0x59: {  	_ =	shalt  }
0x5a: {  	_ =	shalt  }
0x5b: {  	_ =	shalt  }
0x5c: {  	_ =	shalt  }
0x5d: {  	_ =	shalt  }
0x5e: {  	_ =	shalt  }
0x5f: {  	_ =	shalt  }
0x60: {  	_ =	shalt  }
0x61: {  	_ =	shalt  }
0x62: {  	_ =	shalt  }
0x63: {  	_ =	shalt  }
0x64: {  	_ =	shalt  }
0x65: {  	_ =	shalt  }
0x66: {  	_ =	shalt  }
0x67: {  	_ =	shalt  }
0x68: {  	_ =	shalt  }
0x69: {  	_ =	shalt  }
0x6a: {  	_ =	shalt  }
0x6b: {  	_ =	shalt  }
0x6c: {  	_ =	shalt  }
0x6d: {  	_ =	shalt  }
0x6e: {  	_ =	shalt  }
0x6f: {  	_ =	shalt  }
0x70: {  	_ =	shalt  }
0x71: {  	_ =	shalt  }
0x72: {  	_ =	shalt  }
0x73: {  	_ =	shalt  }
0x74: {  	_ =	shalt  }
0x75: {  	_ =	shalt  }
0x76: {  	_ =	shalt  }
0x77: {  	_ =	shalt  }
0x78: {  	_ =	shalt  }
0x79: {  	_ =	shalt  }
0x7a: {  	_ =	shalt  }
0x7b: {  	_ =	shalt  }
0x7c: {  	_ =	shalt  }
0x7d: {  	_ =	shalt  }
0x7e: {  	_ =	shalt  }
0x7f: {  	_ =	shalt  }
0x80: {  	_ =	shalt  }
0x81: {  	_ =	shalt  }
0x82: {  	_ =	shalt  }
0x83: {  	_ =	shalt  }
0x84: {  	_ =	shalt  }
0x85: {  	_ =	shalt  }
0x86: {  	_ =	shalt  }
0x87: {  	_ =	shalt  }
.Lfunc_end0:
.L_simem_size_0:
called_computation.3_lowered:
.L_overlay_start_0:
0x88: {  	s2 =	sld [smem:$0x3FD9]  }
0x89: {  	s3 =	sld [smem:$0x3FFE];
	_ =	sdelay $0x1  }
0x8a: {  	s1 =	srdreg.scid  }
0x8b: {  	s0 =	sand.u32 $0x1, s1  }
0x8c: {  	s16 =	sshll.u32 s0, $0xA;
	s2 =	sadd.s32 s3, s2  }
0x8d: {  	s2 =	sadd.s32 s2, s16  }
0x8e: {  	[smem:$0x3FBE] =	sst s2  }
0x8f: {  	_ = 	snop  }
0x90: {  	(tm) =	ssettm $0x1  }
0x91: {  	s17 =	sld [smem:$0x3FFB];
	_ =	sdelay $0x3  }
0x92: {  	_ =	strace s17  }
0x93: {  	s2 =	sld [smem:$0x3FFC];
	_ =	sdelay $0x3  }
0x94: {  	_ =	strace s2  }
0x95: {  	s2 =	sld [smem:$0x3FFD];
	_ =	sdelay $0x3  }
0x96: {  	_ =	strace s2  }
0x97: {  	_ =	strace $0x8FFFFFFF  }
0x98: {  	s18 =	sld [smem:$0x3FDB];
	_ =	sdelay $0x1  }
0x99: {  	s19 =	simm.s32 $_scs_section_size  }
0x9a: {  	s4 =	simm.s32 $_size__tile_overlayer_lowered;
	s5 =	simm.s32 $_tile_overlayer_lowered  }
0x9b: {  	s22 =	simm.s32 $0x1BFF;
	s21 =	sshll.u32 s5, $0x1;
	s2 =	sadd.s32 s19, s18  }
0x9c: {  	s6 =	simm.s32 $0x0;
	s20 =	sshll.u32 s4, $0x1;
	s4 =	sadd.s32 s21, s2  }
0x9d: {  	[timem:s6], [sflag:s22] =	dma.local [hbm:s4], s20  }
0x9e: {  	_ =	swait.ge [sflag:s22], s20  }
0x9f: {  	s3 =	ssub.s32 $0x0, s20;
	[sflag:s22] =	ssyncset.done $0x0  }
0xa0: {  	[sflag:s22] =	ssyncadd.s32 s3;
	_ =	sdelay $0x1  }
0xa1: {  	s23 =	simm.s32 $0x1B8B  }
0xa2: {  	_ =	swait.ge [sflag:s23], $0x1  }
0xa3: {  	[sflag:s23] =	ssyncset.done $0x0  }
0xa4: {  	s25 =	simm.s32 $0x1B8E;
	s24 =	sld [smem:$0x3FFE];
	[sflag:s23] =	ssyncadd.s32 $0xFFFFFFFF  }
0xa5: {  	s26 =	simm.s32 $execute0_lowered;
	[smem:$0x3FD2] =	sst s25  }
0xa6: {  	s4 =	sshll.u32 s26, $0x1;
	_ =	strace $0x8000004F;
	[dreg:$0x1] =	wrdreg $0xFFFFFFFF  }
0xa7: {  	s28 =	simm.s32 $_size_execute0_lowered;
	s2 =	sadd.s32 s2, s4;
	[dreg:$0x0] =	wrdreg $0x0  }
0xa8: {  	s4 =	sshll.u32 s28, $0x1;
	[dreg:$0x2] =	wrdreg s2  }
0xa9: {  	[dreg:$0x3] =	wrdreg s4  }
0xaa: {  	[dreg:$0x4] =	wrdreg $0xC0  }
0xab: {  	_ =	task [dreg:s6], $0x5FFFF  }
0xac: {  	[dreg:$0x1] =	wrdreg $0xFFFFFFFF  }
0xad: {  	[dreg:$0x0] =	wrdreg $0x60  }
0xae: {  	[dreg:$0x2] =	wrdreg s24  }
0xaf: {  	[dreg:$0x3] =	wrdreg $0x31000  }
0xb0: {  	[dreg:$0x4] =	wrdreg $0x9  }
0xb1: {  	_ =	task.clear_ibuf [dreg:s6], $0x5FFFF;
	_ =	strace $0x9000004F  }
0xb2: {  	s29 =	simm.s32 $0x9;
	_ =	strace $0x80000051  }
0xb3: {  	_ =	swait.ge [sflag:s29], $0x1  }
0xb4: {  	[sflag:s29] =	ssyncadd.s32 $0xFFFFFFFF  }
0xb5: {  	_ =	strace $0x90000051  }
0xb6: {  	_ =	sfence  }
0xb7: {  	s30 =	sld [smem:$0x0];
	_ =	sdelay $0x2  }
0xb8: {  	s31 =	sshll.u32 s1, $0xD;
	s1 =	sshrl.u32 s1, $0x2  }
0xb9: {  	s3 =	sand.u32 $0x4000, s31;
	s1 =	sadd.s32 s1, s30  }
0xba: {  	s0 =	sor.u32 s3, s0;
	s1 =	sshll.u32 s1, $0x11  }
0xbb: {  	s0 =	sor.u32 s1, s0  }
0xbc: {  	s0 =	sadd.s32 $0x8F2B, s0  }
0xbd: {  	[sflag:s0] =	ssyncadd.remote.s32 $0x1  }
0xbe: {  	_ =	sfence.sel $0xFFFF  }
0xbf: {  	[dreg:$0x0] =	wrdreg $0xFFFFFFFF;
	(pc) =	sbr.abs _section_cstart, $3  }
0xc0: {  	[dreg:$0x1] =	wrdreg $0xFFFFFFFF  }
0xc1: {  	_ =	task.clear_ibuf [dreg:s6], $0x2FFFF;
	_ =	strace $0x9FFFFFFF  }
0xc2: {  	(tm) =	ssettm $0x7FFFFFFF  }
0xc3: {  	_ =	shalt  }
tec
execute0_lowered:
.L_overlay_start_1:
0x0: {  	(tag) =	ssettag $0x1  }
0x1: {  	s7 =	rddreg [dreg:$0x0]  }
0x2: {  	s2 =	rddreg [dreg:$0x1]  }
0x3: {  	s0 =	rddreg [dreg:$0x2];
	s4 =	srdreg.scid  }
0x4: {  	s3 =	simm.s32 $0x0;
	s1 =	stileid.u32;
	s12 =	simm.s32 $0x80  }
0x5: {  	s13 =	simm.s32 $0x100;
	s14 =	simm.s32 $0x1;
	s17 =	simm.s32 $0x0  }
0x6: {  	s5 =	sand.u32 $0x1, s4;
	[smem:$0x7FF] =	sst s3;
	s6 =	smul.u32 $0x9E0, s1  }
0x7: {  	s4 =	sadd.s32 $0xE200, s7;
	s30 =	smul.u32 $0x2800, s1;
	s15 =	sshll.u32 s1, $0x6  }
0x8: {  	s8 =	ssub.s32 $0x2, s5;
	_ =	strace $0x80000050;
	p0 =	seq.s32 s5, $0x1  }
0x9: {  	s11 =	smul.u32 $0x4F0, s5;
	s15 =	sor.u32 $0x1C02, s15;
	s9 =	sshrl.u32 s8, $0x1  }
0xa: {  	s10 =	sadd.s32 s6, s7;
	s5 =	sadd.s32 s30, s2;
	s29 =	ssub.s32 s8, s9  }
0xb: {  	s9 =	simm.s32 $0x13200;
	s8 =	sshrl.u32 s30, $0x3;
	s31 =	sadd.s32 s11, s10  }
0xc: {  	s10 =	simm.s32 $0x900;
	s11 =	simm.s32 $0x2;
	s9 =	simm.s32 @!p0 $0x72000  }
0xd: {  	s16 =	sshrl.u32 s5, $0x3;
	s6 =	smax.u32 s29, $0x1;
	s7 =	sadd.s32 s9, s7  }
0xe: {  	v0 =	vimm.f32 $0.0e+00;
	s9 =	sadd.s32 $0x18200, s31;
	s7 =	sadd.s32 s7, s8;
	s8 =	sadd.s32 $0x4400, s31  }
.LBB2_1:
0xf: {  	s18 =	simm.s32 $0x40;
	s19 =	simm.s32 $0x0  }
.LBB2_2:
0x10: {  	p0 =	sne.s32 s18, $0x9FC0;
	[tilespmem:s19+$0x900] =	vst v0;
	s19 =	smov.u32 s18;
	s18 =	sadd.s32 $0x40, s18  }
.Ltmp0:
0x11: {  	(pc) =	sbr.rel @p0 .LBB2_2-.Ltmp0, $2  }
0x12: {  	_ =	sdelay $0x2  }
0x13: {  	s19 =	sshra.s32 s19, $0x2  }
0x14: {  	[tilespmem:s19+$0x900] =	vst v0  }
0x15: {  	[spmem:s5] =	stream.linear.scatter [tilespmem:s10], [sflag:$0x2], $0x2800, $0x38;
	[tilespmem:$0x5900] =	vst v63  }
0x16: {  	_ =	swait.ge [sflag:s11], $0x2800  }
0x17: {  	[sflag:s11] =	ssyncset.done $0x0  }
0x18: {  	[sflag:s11] =	ssyncadd.s32 $0xFFFFD800  }
0x19: {  	s18 =	sadd.s32 $0x0, s9;
	[bflag:$0x0] =	sbarrier.arrive $0xFFFF  }
0x1a: {  	[tilespmem:s3], [sflag:$0x2] =	stream.linear.gather [hbm4b:s18+s3], $0x80, $0x38;
	[tilespmem:$0x5900] =	vst v63  }
0x1b: {  	_ =	swait.ge [sflag:s11], $0x80  }
0x1c: {  	[sflag:s11] =	ssyncset.done $0x0  }
0x1d: {  	s31 =	sadd.s32 $0x0, s8;
	[sflag:s11] =	ssyncadd.s32 $0xFFFFFF80  }
0x1e: {  	[tilespmem:s12], [sflag:$0x2] =	stream.linear.gather [hbm4b:s31+s3], $0x80, $0x38;
	[tilespmem:$0x5900] =	vst v63  }
0x1f: {  	_ =	swait.ge [sflag:s11], $0x80  }
0x20: {  	[sflag:s11] =	ssyncset.done $0x0  }
0x21: {  	[sflag:s11] =	ssyncadd.s32 $0xFFFFFF80  }
0x22: {  	[tilespmem:s13], [sflag:$0x1] =	stream.indirect.gather [hbm4b:s4+s12], $0x10, s3, s12, $0xb8;
	[tilespmem:$0x5900] =	vst v63  }
0x23: {  	_ =	swait.ge [sflag:s14], $0x800  }
0x24: {  	[sflag:s14] =	ssyncset.done $0x0  }
0x25: {  	[sflag:s14] =	ssyncadd.s32 $0xFFFFF800  }
0x26: {  	[spmem:s2] =	stream.indirect.scatter.add.f32 [tilespmem:s13], [sflag:$0x2], $0x10, s12, s12, $0xb8;
	[tilespmem:$0x5900] =	vst v63  }
0x27: {  	_ =	swait.ge [sflag:s11], $0x800  }
0x28: {  	s19 =	simm.s32 $0x20;
	s18 =	simm.s32 $0x10;
	[sflag:s11] =	ssyncset.done $0x0  }
.LBB2_4:
0x29: {  	s20 =	sadd.s32 s18, s9  }
0x2a: {  	[sflag:s11] =	ssyncadd.s32 $0xFFFFF800;
	s21 =	smov.u32 s19;
	s22 =	sadd.s32 $0x10, s19  }
0x2b: {  	[tilespmem:s3], [sflag:$0x2] =	stream.linear.gather [hbm4b:s20+s3], $0x80, $0x38;
	[tilespmem:$0x5900] =	vst v63  }
0x2c: {  	p0 =	sne.s32 s19, $0x4E0;
	_ =	swait.ge [sflag:s11], $0x80  }
0x2d: {  	[sflag:s11] =	ssyncset.done $0x0  }
0x2e: {  	s19 =	sadd.s32 s18, s8;
	s18 =	smov.u32 s21;
	[sflag:s11] =	ssyncadd.s32 $0xFFFFFF80  }
0x2f: {  	[tilespmem:s12], [sflag:$0x2] =	stream.linear.gather [hbm4b:s19+s3], $0x80, $0x38;
	[tilespmem:$0x5900] =	vst v63  }
0x30: {  	_ =	swait.ge [sflag:s11], $0x80  }
0x31: {  	[sflag:s11] =	ssyncset.done $0x0  }
0x32: {  	[sflag:s11] =	ssyncadd.s32 $0xFFFFFF80  }
0x33: {  	[tilespmem:s13], [sflag:$0x1] =	stream.indirect.gather [hbm4b:s4+s12], $0x10, s3, s12, $0xb8;
	[tilespmem:$0x5900] =	vst v63  }
0x34: {  	_ =	swait.ge [sflag:s14], $0x800  }
.Ltmp1:
0x35: {  	[sflag:s14] =	ssyncset.done $0x0;
	(pc) =	sbr.rel @p0 .LBB2_4-.Ltmp1, $4  }
0x36: {  	[sflag:s14] =	ssyncadd.s32 $0xFFFFF800  }
0x37: {  	[spmem:s2] =	stream.indirect.scatter.add.f32 [tilespmem:s13], [sflag:$0x2], $0x10, s12, s12, $0xb8;
	[tilespmem:$0x5900] =	vst v63  }
0x38: {  	_ =	swait.ge [sflag:s11], $0x800  }
0x39: {  	s19 =	smov.u32 s22;
	[sflag:s11] =	ssyncset.done $0x0  }
0x3a: {  	s19 =	sadd.s32 s18, s9;
	[sflag:s11] =	ssyncadd.s32 $0xFFFFF800  }
0x3b: {  	[tilespmem:s3], [sflag:$0x2] =	stream.linear.gather [hbm4b:s19+s3], $0x80, $0x38;
	[tilespmem:$0x5900] =	vst v63  }
0x3c: {  	_ =	swait.ge [sflag:s11], $0x80  }
0x3d: {  	[sflag:s11] =	ssyncset.done $0x0  }
0x3e: {  	s31 =	sadd.s32 s18, s8;
	[sflag:s11] =	ssyncadd.s32 $0xFFFFFF80  }
0x3f: {  	[tilespmem:s12], [sflag:$0x2] =	stream.linear.gather [hbm4b:s31+s3], $0x80, $0x38;
	[tilespmem:$0x5900] =	vst v63  }
0x40: {  	_ =	swait.ge [sflag:s11], $0x80  }
0x41: {  	[sflag:s11] =	ssyncset.done $0x0  }
0x42: {  	[sflag:s11] =	ssyncadd.s32 $0xFFFFFF80  }
0x43: {  	[tilespmem:s13], [sflag:$0x1] =	stream.indirect.gather [hbm4b:s4+s12], $0x10, s3, s12, $0xb8;
	[tilespmem:$0x5900] =	vst v63  }
0x44: {  	_ =	swait.ge [sflag:s14], $0x800  }
0x45: {  	[sflag:s14] =	ssyncset.done $0x0  }
0x46: {  	[sflag:s14] =	ssyncadd.s32 $0xFFFFF800  }
0x47: {  	[spmem:s2] =	stream.indirect.scatter.add.f32 [tilespmem:s13], [sflag:$0x2], $0x10, s12, s12, $0xb8;
	[tilespmem:$0x5900] =	vst v63  }
0x48: {  	_ =	swait.ge [sflag:s11], $0x800  }
0x49: {  	s17 =	sadd.s32 $0x1, s17;
	[sflag:s11] =	ssyncset.done $0x0  }
0x4a: {  	p0 =	sne.s32 s17, s6;
	[sflag:s11] =	ssyncadd.s32 $0xFFFFF800  }
.Ltmp2:
0x4b: {  	[bflag:$0x0] =	sbarrier.arrive $0xFFFF;
	(pc) =	sbr.rel @p0 .LBB2_1-.Ltmp2, $4  }
0x4c: {  	[hbm:s7], [sflag:s15] =	dma.local [spmem:s16], $0x500  }
0x4d: {  	_ =	swait.ge [sflag:s11], $0x500  }
0x4e: {  	[sflag:s11] =	ssyncset.done $0x0  }
0x4f: {  	[sflag:s11] =	ssyncadd.s32 $0xFFFFFB00  }
0x50: {  	_ =	sfence.sel $0x180000  }
0x51: {  	[bflag:$0x0] =	sbarrier.arrive $0xFFFF  }
0x52: {  	p0 =	sne.s32 s1, $0x0;
	_ =	strace $0x90000050  }
0x53: {  	s0 =	sadd.s32 @!p0 $0x100000, s0;
	[bflag:$0x2] =	sbarrier.arrive $0xFFFF  }
0x54: {  	[sflag:s0] =	ssyncadd.tile.s32 @!p0 $0x1;
	_ =	shalt  }
.Lfunc_end2:
_tile_overlayer_lowered:
.L_overlay_start_2:
0x55: {  	(tag) =	ssettag $0x2  }
0x56: {  	s0 =	rddreg [dreg:$0x0];
	s2 =	stileid.u32  }
0x57: {  	s1 =	rddreg [dreg:$0x1];
	p0 =	sne.s32 s2, $0x0  }
0x58: {  	s3 =	rddreg [dreg:$0x2];
	[bflag:$0x3] =	sbarrier.arrive $0xFFFF;
	s2 =	simm.s32 @!p0 $0x1C02  }
0x59: {  	[timem:s3], [sflag:s2] =	dma.local @!p0 [hbm:s0], s1  }
0x5a: {  	s0 =	simm.s32 @!p0 $0x2  }
0x5b: {  	_ =	swait.ge @!p0 [sflag:s0], s1  }
0x5c: {  	s1 =	ssub.s32 @!p0 $0x0, s1;
	[sflag:s0] =	ssyncset.done @!p0 $0x0  }
0x5d: {  	[sflag:s0] =	ssyncadd.s32 @!p0 s1  }
0x5e: {  	[bflag:$0x3] =	sbarrier.arrive $0xFFFF  }
0x5f: {  	_ =	shalt  }

</sc_bundles>
